<compile_context>
chip_gen: v7x
topology: tpu7x:2x2x1
jax: 0.10.2.dev20260603
libtpu: 0.0.44.dev20260713+nightly
codegen_flags: <defaults>
</compile_context>

<pallas_src>
import functools

import jax
import jax.numpy as jnp
from jax import lax
from jax.experimental import pallas as pl
from jax.experimental.pallas import tpu as pltpu
from jax.experimental.pallas import tpu_sc as plsc

N_SUP = 65536
N_QRY = 8192
D = 128
C = 512
L = 16
CH = 128
QB = 2048

_HI = lax.Precision.DEFAULT


def _make_sc_segment_sum():
    mesh = plsc.VectorSubcoreMesh(core_axis_name="c", subcore_axis_name="s")
    nc, ns = mesh.num_cores, mesh.num_subcores
    nw = nc * ns
    rows_per_worker = N_SUP // nw
    nchunk = rows_per_worker // CH
    rows_per_tile = C // ns

    @functools.partial(
        pl.kernel,
        out_type=(
            jax.ShapeDtypeStruct((nc, C, D), jnp.float32),
            jax.ShapeDtypeStruct((nc, C), jnp.float32),
        ),
        mesh=mesh,
        scratch_types=[
            pltpu.VMEM((CH, D), jnp.float32),
            pltpu.VMEM((CH, D), jnp.float32),
            pltpu.VMEM((CH,), jnp.int32),
            pltpu.VMEM((CH,), jnp.int32),
            pltpu.VMEM((CH,), jnp.float32),
            pltpu.VMEM((rows_per_tile, D), jnp.float32),
            pltpu.VMEM((C,), jnp.float32),
            pltpu.VMEM_SHARED((C, D), jnp.float32),
            pltpu.VMEM_SHARED((C,), jnp.float32),
            pltpu.SemaphoreType.DMA,
            pltpu.SemaphoreType.DMA,
            pltpu.SemaphoreType.DMA,
            pltpu.SemaphoreType.DMA,
            pltpu.SemaphoreType.DMA,
        ],
    )
    def seg(support_hbm, labels_hbm, sums_out, counts_out,
            rows_a, rows_b, lab_a, lab_b, ones_v, stage_v, cstage_v,
            ssum, scnt, rsem_a, rsem_b, lsem_a, lsem_b, csem):
        cid = lax.axis_index("c")
        sid = lax.axis_index("s")
        wid = sid * nc + cid

        zeros16 = jnp.zeros((L,), jnp.float32)
        ones16 = jnp.ones((L,), jnp.float32)

        base = wid * rows_per_worker
        bufs = ((rows_a, lab_a, rsem_a, lsem_a), (rows_b, lab_b, rsem_b, lsem_b))

        def start_gather(t):
            rv, lv, rs, ls = bufs[t % 2]
            off = base + t * CH
            pltpu.async_copy(support_hbm.at[pl.ds(off, CH)], rv, rs)
            pltpu.async_copy(labels_hbm.at[pl.ds(off, CH)], lv, ls)

        start_gather(0)
        start_gather(1)

        def fill_ones(k, _):
            ones_v[pl.ds(k * L, L)] = ones16
            return 0
        lax.fori_loop(0, CH // L, fill_ones, 0)

        def fill_zero(k, _):
            for j in range(D // L):
                stage_v[k, pl.ds(j * L, L)] = zeros16
            return 0
        lax.fori_loop(0, rows_per_tile, fill_zero, 0)

        def fill_czero(k, _):
            cstage_v[pl.ds(k * L, L)] = zeros16
            return 0
        lax.fori_loop(0, C // L, fill_czero, 0)

        rowbase = sid * rows_per_tile
        pltpu.sync_copy(stage_v, ssum.at[pl.ds(rowbase, rows_per_tile)])

        @pl.when(sid == 0)
        def _():
            pltpu.sync_copy(cstage_v, scnt)
        plsc.subcore_barrier()

        def ring(k, _):
            for bslot in range(2):
                t = 2 * k + bslot
                rv, lv, rs, ls = bufs[bslot]
                off = base + t * CH
                pltpu.make_async_copy(
                    support_hbm.at[pl.ds(off, CH)], rv, rs).wait()
                pltpu.make_async_copy(
                    labels_hbm.at[pl.ds(off, CH)], lv, ls).wait()
                cnt_h = pltpu.async_copy(ones_v, scnt.at[lv], csem, add=True)
                pltpu.sync_copy(rv, ssum.at[lv], add=True)
                cnt_h.wait()

                @pl.when(t + 2 < nchunk)
                def _():
                    off2 = base + (t + 2) * CH
                    pltpu.async_copy(support_hbm.at[pl.ds(off2, CH)], rv, rs)
                    pltpu.async_copy(labels_hbm.at[pl.ds(off2, CH)], lv, ls)
            return 0
        lax.fori_loop(0, nchunk // 2, ring, 0)

        plsc.subcore_barrier()

        pltpu.sync_copy(ssum.at[pl.ds(rowbase, rows_per_tile)], stage_v)
        pltpu.sync_copy(stage_v, sums_out.at[cid, pl.ds(rowbase, rows_per_tile)])

        @pl.when(sid == 0)
        def _():
            pltpu.sync_copy(scnt, cstage_v)
            pltpu.sync_copy(cstage_v, counts_out.at[cid])

    return seg


def _tc_body(ps_ref, pcc_ref, q_ref, w_ref, b_ref, out_ref, proto_ref, pn_ref):
    i = pl.program_id(0)

    @pl.when(i == 0)
    def _():
        s = ps_ref[0] + ps_ref[1]
        sp = jnp.dot(s, w_ref[:], preferred_element_type=jnp.float32,
                     precision=_HI)
        cnt_row = jnp.sum(pcc_ref[:], axis=0, keepdims=True)
        cnt_col = jnp.transpose(cnt_row, (1, 0))
        nonempty = cnt_col > 0.5
        inv_col = jnp.where(nonempty,
                            1.0 / jnp.where(nonempty, cnt_col, 1.0), 0.0)
        msk_col = jnp.where(nonempty, 1.0, 0.0)
        proto = sp * inv_col + b_ref[:] * msk_col
        pn_ref[:] = lax.dot_general(
            jnp.ones((1, D), jnp.float32), proto * proto,
            (((1,), (1,)), ((), ())),
            preferred_element_type=jnp.float32, precision=_HI)
        proto_ref[:] = -2.0 * proto

    e = jnp.dot(q_ref[:], w_ref[:], preferred_element_type=jnp.float32,
                precision=_HI) + b_ref[:]
    qn = jnp.sum(e * e, axis=1, keepdims=True)
    a2 = lax.dot_general(e, proto_ref[:], (((1,), (1,)), ((), ())),
                         preferred_element_type=jnp.float32,
                         precision=_HI)
    d2 = (qn + pn_ref[:]) + a2
    out_ref[:] = -jnp.sqrt(jnp.maximum(d2, 0.0))


def _tc_distance(psums, pcounts, query, W, b2d):
    nc = psums.shape[0]
    grid = N_QRY // QB
    return pl.pallas_call(
        _tc_body,
        grid=(grid,),
        in_specs=[
            pl.BlockSpec((nc, C, D), lambda i: (0, 0, 0)),
            pl.BlockSpec((nc, C), lambda i: (0, 0)),
            pl.BlockSpec((QB, D), lambda i: (i, 0)),
            pl.BlockSpec((D, D), lambda i: (0, 0)),
            pl.BlockSpec((1, D), lambda i: (0, 0)),
        ],
        out_specs=pl.BlockSpec((QB, C), lambda i: (i, 0)),
        out_shape=jax.ShapeDtypeStruct((N_QRY, C), jnp.float32),
        scratch_shapes=[
            pltpu.VMEM((C, D), jnp.float32),
            pltpu.VMEM((1, C), jnp.float32),
        ],
    )(psums, pcounts, query, W, b2d)


def kernel(support_set, query_set, support_labels, n_way, W, b):
    psums, pcounts = _make_sc_segment_sum()(support_set, support_labels)
    return _tc_distance(psums, pcounts, query_set, W, b.reshape(1, D))

# --- scband reference (transcript-rebuilt; emitter-appended) ---
"""Pipeline reference for scband-prototypical-network-14594298872345 (READ-ONLY COPY).

The authoritative reference and input builder live on the scoring server;
editing this copy changes nothing except your own understanding.
"""

import jax, jax.numpy as jnp
import numpy as np

N_SUPPORT = 65536
N_QUERY = 8192
D_IN = 128
D_EMB = 128
N_WAY = 512


def setup_inputs(seed: int = 0) -> dict:
    key = jax.random.key(seed)
    k1, k2, k3, k4, k5 = jax.random.split(key, 5)
    support_set = jax.random.normal(k1, (N_SUPPORT, D_IN), dtype=jnp.float32)
    query_set = jax.random.normal(k2, (N_QUERY, D_IN), dtype=jnp.float32)
    support_labels = jax.random.randint(k3, (N_SUPPORT,), 0, N_WAY, dtype=jnp.int32)
    # Embedding model parameters (Dense 128 -> 128, linear activation)
    W = jax.random.normal(k4, (D_IN, D_EMB), dtype=jnp.float32) * (1.0 / np.sqrt(D_IN))
    b = jnp.zeros((D_EMB,), dtype=jnp.float32)
    return {
        'support_set': support_set,
        'query_set': query_set,
        'support_labels': support_labels,
        'n_way': N_WAY,
        'W': W,
        'b': b,
    }


def reference(support_set, query_set, support_labels, n_way, W, b):
    # Embedding (Dense layer, linear activation)
    support_embeddings = support_set @ W + b
    query_embeddings = query_set @ W + b
    # Per-class prototype = mean of support embeddings with that label.
    # Equivalent to the per-class boolean_mask + reduce_mean loop, expressed
    # as a segment reduction (SparseCore-friendly scatter-add).
    seg_ids = support_labels.astype(jnp.int32)
    seg_ids = jnp.minimum(seg_ids, jnp.asarray(n_way, dtype=jnp.int32) - 1)
    sums = jax.ops.segment_sum(support_embeddings, seg_ids, num_segments=N_WAY)
    counts = jax.ops.segment_sum(
        jnp.ones((support_embeddings.shape[0],), dtype=jnp.float32),
        seg_ids, num_segments=N_WAY)
    # Empty class -> zero prototype (matches tf.zeros_like branch)
    safe_counts = jnp.where(counts > 0, counts, 1.0)
    prototypes = jnp.where((counts > 0)[:, None], sums / safe_counts[:, None], 0.0)
    # Euclidean distances query x prototype
    diff = query_embeddings[:, None, :] - prototypes[None, :, :]
    distances = jnp.sqrt(jnp.sum(diff * diff, axis=2))
    return -distances

if __name__ == "__main__":
    import jax
    _d = setup_inputs()
    print(jax.jit(kernel)(*tuple(_d.values())))

</pallas_src>

<mosaic_0001>
#map = affine_map<(d0, d1) -> (0, 0)>
#map1 = affine_map<(d0, d1) -> (0)>
#map2 = affine_map<(d0, d1) -> (0, 0, 0)>
module attributes {stable_mosaic.version = 14 : i64} {
  func.func @seg(%arg0: i32, %arg1: i32, %arg2: memref<65536x128xf32, #tpu.memory_space<hbm>>, %arg3: memref<65536xi32, #tpu.memory_space<hbm>>, %arg4: memref<2x512x128xf32, #tpu.memory_space<hbm>>, %arg5: memref<2x512xf32, #tpu.memory_space<hbm>>, %arg6: memref<128x128xf32, #tpu.memory_space<vmem>>, %arg7: memref<128x128xf32, #tpu.memory_space<vmem>>, %arg8: memref<128xi32, #tpu.memory_space<vmem>>, %arg9: memref<128xi32, #tpu.memory_space<vmem>>, %arg10: memref<128xf32, #tpu.memory_space<vmem>>, %arg11: memref<32x128xf32, #tpu.memory_space<vmem>>, %arg12: memref<512xf32, #tpu.memory_space<vmem>>, %arg13: memref<512x128xf32, #tpu.memory_space<vmem_shared>>, %arg14: memref<512xf32, #tpu.memory_space<vmem_shared>>, %arg15: memref<!tpu.dma_semaphore, #tpu.memory_space<semaphore_mem>>, %arg16: memref<!tpu.dma_semaphore, #tpu.memory_space<semaphore_mem>>, %arg17: memref<!tpu.dma_semaphore, #tpu.memory_space<semaphore_mem>>, %arg18: memref<!tpu.dma_semaphore, #tpu.memory_space<semaphore_mem>>, %arg19: memref<!tpu.dma_semaphore, #tpu.memory_space<semaphore_mem>>) attributes {dimension_semantics = [#tpu.dimension_semantics<core_parallel>, #tpu.dimension_semantics<subcore_parallel>], iteration_bounds = array<i64: 2, 16>, scalar_prefetch = 0 : i64, scratch_operands = 14 : i64, tpu.core_type = #tpu.core_type<sc_vector_subcore>, window_params = [{transform_indices = #map}, {transform_indices = #map1}, {transform_indices = #map2}, {transform_indices = #map}]} {
    %mul3A = arith.constant 2 : i32
    %mul3A_0 = arith.muli %arg1, %mul3A : i32
    %add3A = arith.addi %mul3A_0, %arg0 : i32
    %broadcast_in_dim3A = arith.constant 0.000000e+00 : f32
    %broadcast_in_dim3A_1 = vector.broadcast %broadcast_in_dim3A : f32 to vector<16xf32>
    %broadcast_in_dim3A_2 = arith.constant 1.000000e+00 : f32
    %broadcast_in_dim3A_3 = vector.broadcast %broadcast_in_dim3A_2 : f32 to vector<16xf32>
    %mul3A_4 = arith.constant 2048 : i32
    %mul3A_5 = arith.muli %add3A, %mul3A_4 : i32
    %add3A_6 = arith.constant 0 : i32
    %add3A_7 = arith.addi %mul3A_5, %add3A_6 : i32
    %dma_start3A = arith.constant 0 : i32
    %dma_start3A_8 = tpu.memref_slice %arg2[%add3A_7, %dma_start3A] : memref<65536x128xf32, #tpu.memory_space<hbm>> -> memref<128x128xf32, #tpu.memory_space<hbm>>
    %dma_start3A_9 = arith.constant 0 : i32
    %dma_start3A_10 = tpu.memref_slice %arg2[%add3A_7, %dma_start3A_9] : memref<65536x128xf32, #tpu.memory_space<hbm>> -> memref<128x128xf32, #tpu.memory_space<hbm>>
    tpu.enqueue_dma source(%dma_start3A_10 : memref<128x128xf32, #tpu.memory_space<hbm>>) target(%arg6 : memref<128x128xf32, #tpu.memory_space<vmem>>) target_semaphore(%arg15 : memref<!tpu.dma_semaphore, #tpu.memory_space<semaphore_mem>>)
    %dma_start3A_11 = tpu.memref_slice %arg3[%add3A_7] : memref<65536xi32, #tpu.memory_space<hbm>> -> memref<128xi32, #tpu.memory_space<hbm>>
    %dma_start3A_12 = tpu.memref_slice %arg3[%add3A_7] : memref<65536xi32, #tpu.memory_space<hbm>> -> memref<128xi32, #tpu.memory_space<hbm>>
    tpu.enqueue_dma source(%dma_start3A_12 : memref<128xi32, #tpu.memory_space<hbm>>) target(%arg8 : memref<128xi32, #tpu.memory_space<vmem>>) target_semaphore(%arg17 : memref<!tpu.dma_semaphore, #tpu.memory_space<semaphore_mem>>)
    %add3A_13 = arith.constant 128 : i32
    %add3A_14 = arith.addi %mul3A_5, %add3A_13 : i32
    %dma_start3A_15 = arith.constant 0 : i32
    %dma_start3A_16 = tpu.memref_slice %arg2[%add3A_14, %dma_start3A_15] : memref<65536x128xf32, #tpu.memory_space<hbm>> -> memref<128x128xf32, #tpu.memory_space<hbm>>
    %dma_start3A_17 = arith.constant 0 : i32
    %dma_start3A_18 = tpu.memref_slice %arg2[%add3A_14, %dma_start3A_17] : memref<65536x128xf32, #tpu.memory_space<hbm>> -> memref<128x128xf32, #tpu.memory_space<hbm>>
    tpu.enqueue_dma source(%dma_start3A_18 : memref<128x128xf32, #tpu.memory_space<hbm>>) target(%arg7 : memref<128x128xf32, #tpu.memory_space<vmem>>) target_semaphore(%arg16 : memref<!tpu.dma_semaphore, #tpu.memory_space<semaphore_mem>>)
    %dma_start3A_19 = tpu.memref_slice %arg3[%add3A_14] : memref<65536xi32, #tpu.memory_space<hbm>> -> memref<128xi32, #tpu.memory_space<hbm>>
    %dma_start3A_20 = tpu.memref_slice %arg3[%add3A_14] : memref<65536xi32, #tpu.memory_space<hbm>> -> memref<128xi32, #tpu.memory_space<hbm>>
    tpu.enqueue_dma source(%dma_start3A_20 : memref<128xi32, #tpu.memory_space<hbm>>) target(%arg9 : memref<128xi32, #tpu.memory_space<vmem>>) target_semaphore(%arg18 : memref<!tpu.dma_semaphore, #tpu.memory_space<semaphore_mem>>)
    %scan3A = arith.constant 0 : i32
    %scan3A_21 = arith.constant 0 : i32
    %scan3A_22 = arith.constant 8 : i32
    %scan3A_23 = arith.addi %scan3A_21, %scan3A_22 : i32
    %scan3A_24 = arith.constant 1 : i32
    %scan3A_25 = scf.for %scan3A_58 = %scan3A_21 to %scan3A_23 step %scan3A_24 iter_args(%scan3A_59 = %scan3A) -> (i32)  : i32 {
      %mul3A_60 = arith.constant 16 : i32
      %mul3A_61 = arith.muli %scan3A_58, %mul3A_60 : i32
      %swap3A = arith.index_cast %mul3A_61 : i32 to index
      %swap3A_62 = tpu.vector_load %arg10[%swap3A] {strides = array<i32>} : memref<128xf32, #tpu.memory_space<vmem>>, vector<16xf32>,
      %swap3A_63 = vector.shape_cast %swap3A_62 : vector<16xf32> to vector<16xf32>
      %swap3A_64 = vector.shape_cast %broadcast_in_dim3A_3 : vector<16xf32> to vector<16xf32>
      tpu.vector_store %arg10[%swap3A], %swap3A_64 {strides = array<i32>} : memref<128xf32, #tpu.memory_space<vmem>>, vector<16xf32>,
      %scan3A_65 = arith.constant 0 : i32
      scf.yield %scan3A_65 : i32
    }
    %scan3A_26 = arith.constant 8 : i32
    %scan3A_27 = arith.constant 0 : i32
    %scan3A_28 = arith.constant 0 : i32
    %scan3A_29 = arith.constant 32 : i32
    %scan3A_30 = arith.addi %scan3A_28, %scan3A_29 : i32
    %scan3A_31 = arith.constant 1 : i32
    %scan3A_32 = scf.for %scan3A_58 = %scan3A_28 to %scan3A_30 step %scan3A_31 iter_args(%scan3A_59 = %scan3A_27) -> (i32)  : i32 {
      %swap3A = arith.index_cast %scan3A_58 : i32 to index
      %swap3A_60 = arith.constant 0 : index
      %swap3A_61 = tpu.vector_load %arg11[%swap3A, %swap3A_60] {strides = array<i32>} : memref<32x128xf32, #tpu.memory_space<vmem>>, vector<1x16xf32>,
      %swap3A_62 = vector.shape_cast %swap3A_61 : vector<1x16xf32> to vector<16xf32>
      %swap3A_63 = vector.shape_cast %broadcast_in_dim3A_1 : vector<16xf32> to vector<1x16xf32>
      tpu.vector_store %arg11[%swap3A, %swap3A_60], %swap3A_63 {strides = array<i32>} : memref<32x128xf32, #tpu.memory_space<vmem>>, vector<1x16xf32>,
      %swap3A_64 = arith.index_cast %scan3A_58 : i32 to index
      %swap3A_65 = arith.constant 16 : index
      %swap3A_66 = tpu.vector_load %arg11[%swap3A_64, %swap3A_65] {strides = array<i32>} : memref<32x128xf32, #tpu.memory_space<vmem>>, vector<1x16xf32>,
      %swap3A_67 = vector.shape_cast %swap3A_66 : vector<1x16xf32> to vector<16xf32>
      %swap3A_68 = vector.shape_cast %broadcast_in_dim3A_1 : vector<16xf32> to vector<1x16xf32>
      tpu.vector_store %arg11[%swap3A_64, %swap3A_65], %swap3A_68 {strides = array<i32>} : memref<32x128xf32, #tpu.memory_space<vmem>>, vector<1x16xf32>,
      %swap3A_69 = arith.index_cast %scan3A_58 : i32 to index
      %swap3A_70 = arith.constant 32 : index
      %swap3A_71 = tpu.vector_load %arg11[%swap3A_69, %swap3A_70] {strides = array<i32>} : memref<32x128xf32, #tpu.memory_space<vmem>>, vector<1x16xf32>,
      %swap3A_72 = vector.shape_cast %swap3A_71 : vector<1x16xf32> to vector<16xf32>
      %swap3A_73 = vector.shape_cast %broadcast_in_dim3A_1 : vector<16xf32> to vector<1x16xf32>
      tpu.vector_store %arg11[%swap3A_69, %swap3A_70], %swap3A_73 {strides = array<i32>} : memref<32x128xf32, #tpu.memory_space<vmem>>, vector<1x16xf32>,
      %swap3A_74 = arith.index_cast %scan3A_58 : i32 to index
      %swap3A_75 = arith.constant 48 : index
      %swap3A_76 = tpu.vector_load %arg11[%swap3A_74, %swap3A_75] {strides = array<i32>} : memref<32x128xf32, #tpu.memory_space<vmem>>, vector<1x16xf32>,
      %swap3A_77 = vector.shape_cast %swap3A_76 : vector<1x16xf32> to vector<16xf32>
      %swap3A_78 = vector.shape_cast %broadcast_in_dim3A_1 : vector<16xf32> to vector<1x16xf32>
      tpu.vector_store %arg11[%swap3A_74, %swap3A_75], %swap3A_78 {strides = array<i32>} : memref<32x128xf32, #tpu.memory_space<vmem>>, vector<1x16xf32>,
      %swap3A_79 = arith.index_cast %scan3A_58 : i32 to index
      %swap3A_80 = arith.constant 64 : index
      %swap3A_81 = tpu.vector_load %arg11[%swap3A_79, %swap3A_80] {strides = array<i32>} : memref<32x128xf32, #tpu.memory_space<vmem>>, vector<1x16xf32>,
      %swap3A_82 = vector.shape_cast %swap3A_81 : vector<1x16xf32> to vector<16xf32>
      %swap3A_83 = vector.shape_cast %broadcast_in_dim3A_1 : vector<16xf32> to vector<1x16xf32>
      tpu.vector_store %arg11[%swap3A_79, %swap3A_80], %swap3A_83 {strides = array<i32>} : memref<32x128xf32, #tpu.memory_space<vmem>>, vector<1x16xf32>,
      %swap3A_84 = arith.index_cast %scan3A_58 : i32 to index
      %swap3A_85 = arith.constant 80 : index
      %swap3A_86 = tpu.vector_load %arg11[%swap3A_84, %swap3A_85] {strides = array<i32>} : memref<32x128xf32, #tpu.memory_space<vmem>>, vector<1x16xf32>,
      %swap3A_87 = vector.shape_cast %swap3A_86 : vector<1x16xf32> to vector<16xf32>
      %swap3A_88 = vector.shape_cast %broadcast_in_dim3A_1 : vector<16xf32> to vector<1x16xf32>
      tpu.vector_store %arg11[%swap3A_84, %swap3A_85], %swap3A_88 {strides = array<i32>} : memref<32x128xf32, #tpu.memory_space<vmem>>, vector<1x16xf32>,
      %swap3A_89 = arith.index_cast %scan3A_58 : i32 to index
      %swap3A_90 = arith.constant 96 : index
      %swap3A_91 = tpu.vector_load %arg11[%swap3A_89, %swap3A_90] {strides = array<i32>} : memref<32x128xf32, #tpu.memory_space<vmem>>, vector<1x16xf32>,
      %swap3A_92 = vector.shape_cast %swap3A_91 : vector<1x16xf32> to vector<16xf32>
      %swap3A_93 = vector.shape_cast %broadcast_in_dim3A_1 : vector<16xf32> to vector<1x16xf32>
      tpu.vector_store %arg11[%swap3A_89, %swap3A_90], %swap3A_93 {strides = array<i32>} : memref<32x128xf32, #tpu.memory_space<vmem>>, vector<1x16xf32>,
      %swap3A_94 = arith.index_cast %scan3A_58 : i32 to index
      %swap3A_95 = arith.constant 112 : index
      %swap3A_96 = tpu.vector_load %arg11[%swap3A_94, %swap3A_95] {strides = array<i32>} : memref<32x128xf32, #tpu.memory_space<vmem>>, vector<1x16xf32>,
      %swap3A_97 = vector.shape_cast %swap3A_96 : vector<1x16xf32> to vector<16xf32>
      %swap3A_98 = vector.shape_cast %broadcast_in_dim3A_1 : vector<16xf32> to vector<1x16xf32>
      tpu.vector_store %arg11[%swap3A_94, %swap3A_95], %swap3A_98 {strides = array<i32>} : memref<32x128xf32, #tpu.memory_space<vmem>>, vector<1x16xf32>,
      %scan3A_99 = arith.constant 0 : i32
      scf.yield %scan3A_99 : i32
    }
    %scan3A_33 = arith.constant 32 : i32
    %scan3A_34 = arith.constant 0 : i32
    %scan3A_35 = arith.constant 0 : i32
    %scan3A_36 = arith.constant 32 : i32
    %scan3A_37 = arith.addi %scan3A_35, %scan3A_36 : i32
    %scan3A_38 = arith.constant 1 : i32
    %scan3A_39 = scf.for %scan3A_58 = %scan3A_35 to %scan3A_37 step %scan3A_38 iter_args(%scan3A_59 = %scan3A_34) -> (i32)  : i32 {
      %mul3A_60 = arith.constant 16 : i32
      %mul3A_61 = arith.muli %scan3A_58, %mul3A_60 : i32
      %swap3A = arith.index_cast %mul3A_61 : i32 to index
      %swap3A_62 = tpu.vector_load %arg12[%swap3A] {strides = array<i32>} : memref<512xf32, #tpu.memory_space<vmem>>, vector<16xf32>,
      %swap3A_63 = vector.shape_cast %swap3A_62 : vector<16xf32> to vector<16xf32>
      %swap3A_64 = vector.shape_cast %broadcast_in_dim3A_1 : vector<16xf32> to vector<16xf32>
      tpu.vector_store %arg12[%swap3A], %swap3A_64 {strides = array<i32>} : memref<512xf32, #tpu.memory_space<vmem>>, vector<16xf32>,
      %scan3A_65 = arith.constant 0 : i32
      scf.yield %scan3A_65 : i32
    }
    %scan3A_40 = arith.constant 32 : i32
    %mul3A_41 = arith.constant 32 : i32
    %mul3A_42 = arith.muli %arg1, %mul3A_41 : i32
    "tpu.region"() ({
      %run_scoped3A = tpu.sem_alloc : memref<!tpu.dma_semaphore, #tpu.memory_space<semaphore_mem>>
      %dma_start3A_58 = arith.constant 0 : i32
      %dma_start3A_59 = tpu.memref_slice %arg13[%mul3A_42, %dma_start3A_58] : memref<512x128xf32, #tpu.memory_space<vmem_shared>> -> memref<32x128xf32, #tpu.memory_space<vmem_shared>>
      %dma_start3A_60 = arith.constant 0 : i32
      %dma_start3A_61 = tpu.memref_slice %arg13[%mul3A_42, %dma_start3A_60] : memref<512x128xf32, #tpu.memory_space<vmem_shared>> -> memref<32x128xf32, #tpu.memory_space<vmem_shared>>
      tpu.enqueue_dma source(%arg11 : memref<32x128xf32, #tpu.memory_space<vmem>>) target(%dma_start3A_61 : memref<32x128xf32, #tpu.memory_space<vmem_shared>>) target_semaphore(%run_scoped3A : memref<!tpu.dma_semaphore, #tpu.memory_space<semaphore_mem>>)
      %dma_wait3A = arith.constant 0 : i32
      %dma_wait3A_62 = tpu.memref_slice %arg13[%mul3A_42, %dma_wait3A] : memref<512x128xf32, #tpu.memory_space<vmem_shared>> -> memref<32x128xf32, #tpu.memory_space<vmem_shared>>
      %dma_wait3A_63 = arith.constant 0 : i32
      %dma_wait3A_64 = tpu.memref_slice %arg13[%mul3A_42, %dma_wait3A_63] : memref<512x128xf32, #tpu.memory_space<vmem_shared>> -> memref<32x128xf32, #tpu.memory_space<vmem_shared>>
      tpu.wait_dma2 semaphore(%run_scoped3A : memref<!tpu.dma_semaphore, #tpu.memory_space<semaphore_mem>>) src(%arg11 : memref<32x128xf32, #tpu.memory_space<vmem>>) dst(%dma_wait3A_64 : memref<32x128xf32, #tpu.memory_space<vmem_shared>>)
      tpu.yield
    }) : () -> ()
    %eq3A = arith.constant 0 : i32
    %eq3A_43 = arith.cmpi eq, %arg1, %eq3A : i32
    %convert_element_type3A = arith.extui %eq3A_43 : i1 to i32
    %cond3A = arith.constant 0 : i32
    %cond3A_44 = arith.cmpi ne, %convert_element_type3A, %cond3A : i32
    scf.if %cond3A_44 {
      "tpu.region"() ({
        %run_scoped3A = tpu.sem_alloc : memref<!tpu.dma_semaphore, #tpu.memory_space<semaphore_mem>>
        tpu.enqueue_dma source(%arg12 : memref<512xf32, #tpu.memory_space<vmem>>) target(%arg14 : memref<512xf32, #tpu.memory_space<vmem_shared>>) target_semaphore(%run_scoped3A : memref<!tpu.dma_semaphore, #tpu.memory_space<semaphore_mem>>)
        tpu.wait_dma2 semaphore(%run_scoped3A : memref<!tpu.dma_semaphore, #tpu.memory_space<semaphore_mem>>) src(%arg12 : memref<512xf32, #tpu.memory_space<vmem>>) dst(%arg14 : memref<512xf32, #tpu.memory_space<vmem_shared>>)
        tpu.yield
      }) : () -> ()
    } else {
    }
    %barrier3A = arith.constant 0 : index
    tpu.barrier barrier_id(%barrier3A)
    %scan3A_45 = arith.constant 0 : i32
    %scan3A_46 = arith.constant 0 : i32
    %scan3A_47 = arith.constant 8 : i32
    %scan3A_48 = arith.addi %scan3A_46, %scan3A_47 : i32
    %scan3A_49 = arith.constant 1 : i32
    %scan3A_50 = scf.for %scan3A_58 = %scan3A_46 to %scan3A_48 step %scan3A_49 iter_args(%scan3A_59 = %scan3A_45) -> (i32)  : i32 {
      %mul3A_60 = arith.constant 2 : i32
      %mul3A_61 = arith.muli %mul3A_60, %scan3A_58 : i32
      %add3A_62 = arith.constant 0 : i32
      %add3A_63 = arith.addi %mul3A_61, %add3A_62 : i32
      %mul3A_64 = arith.constant 128 : i32
      %mul3A_65 = arith.muli %add3A_63, %mul3A_64 : i32
      %add3A_66 = arith.addi %mul3A_5, %mul3A_65 : i32
      %dma_wait3A = arith.constant 0 : i32
      %dma_wait3A_67 = tpu.memref_slice %arg2[%add3A_66, %dma_wait3A] : memref<65536x128xf32, #tpu.memory_space<hbm>> -> memref<128x128xf32, #tpu.memory_space<hbm>>
      %dma_wait3A_68 = arith.constant 0 : i32
      %dma_wait3A_69 = tpu.memref_slice %arg2[%add3A_66, %dma_wait3A_68] : memref<65536x128xf32, #tpu.memory_space<hbm>> -> memref<128x128xf32, #tpu.memory_space<hbm>>
      tpu.wait_dma2 semaphore(%arg15 : memref<!tpu.dma_semaphore, #tpu.memory_space<semaphore_mem>>) src(%dma_wait3A_69 : memref<128x128xf32, #tpu.memory_space<hbm>>) dst(%arg6 : memref<128x128xf32, #tpu.memory_space<vmem>>)
      %dma_wait3A_70 = tpu.memref_slice %arg3[%add3A_66] : memref<65536xi32, #tpu.memory_space<hbm>> -> memref<128xi32, #tpu.memory_space<hbm>>
      %dma_wait3A_71 = tpu.memref_slice %arg3[%add3A_66] : memref<65536xi32, #tpu.memory_space<hbm>> -> memref<128xi32, #tpu.memory_space<hbm>>
      tpu.wait_dma2 semaphore(%arg17 : memref<!tpu.dma_semaphore, #tpu.memory_space<semaphore_mem>>) src(%dma_wait3A_71 : memref<128xi32, #tpu.memory_space<hbm>>) dst(%arg8 : memref<128xi32, #tpu.memory_space<vmem>>)
      %dma_start3A_72 = arith.constant 0 : i32
      %dma_start3A_73 = tpu.memref_slice %arg14[%dma_start3A_72] : memref<512xf32, #tpu.memory_space<vmem_shared>> -> memref<512xf32, #tpu.memory_space<vmem_shared>>
      tpu.enqueue_indirect_dma source(%arg10 : memref<128xf32, #tpu.memory_space<vmem>>) target(%dma_start3A_73 : memref<512xf32, #tpu.memory_space<vmem_shared>>) offsets(%arg8 : memref<128xi32, #tpu.memory_space<vmem>>) semaphore(%arg19 : memref<!tpu.dma_semaphore, #tpu.memory_space<semaphore_mem>>) {add = true}
      "tpu.region"() ({
        %run_scoped3A = tpu.sem_alloc : memref<!tpu.dma_semaphore, #tpu.memory_space<semaphore_mem>>
        %dma_start3A_107 = arith.constant 0 : i32
        %dma_start3A_108 = arith.constant 0 : i32
        %dma_start3A_109 = tpu.memref_slice %arg13[%dma_start3A_107, %dma_start3A_108] : memref<512x128xf32, #tpu.memory_space<vmem_shared>> -> memref<512x128xf32, #tpu.memory_space<vmem_shared>>
        tpu.enqueue_indirect_dma source(%arg6 : memref<128x128xf32, #tpu.memory_space<vmem>>) target(%dma_start3A_109 : memref<512x128xf32, #tpu.memory_space<vmem_shared>>) offsets(%arg8 : memref<128xi32, #tpu.memory_space<vmem>>) semaphore(%run_scoped3A : memref<!tpu.dma_semaphore, #tpu.memory_space<semaphore_mem>>) {add = true}
        %dma_wait3A_110 = arith.constant 0 : i32
        %dma_wait3A_111 = arith.constant 0 : i32
        %dma_wait3A_112 = tpu.memref_slice %arg13[%dma_wait3A_110, %dma_wait3A_111] : memref<512x128xf32, #tpu.memory_space<vmem_shared>> -> memref<512x128xf32, #tpu.memory_space<vmem_shared>>
        tpu.wait_indirect_dma semaphore(%run_scoped3A : memref<!tpu.dma_semaphore, #tpu.memory_space<semaphore_mem>>) src(%arg6 : memref<128x128xf32, #tpu.memory_space<vmem>>) dst(%dma_wait3A_112 : memref<512x128xf32, #tpu.memory_space<vmem_shared>>)
        tpu.yield
      }) : () -> ()
      %dma_wait3A_74 = arith.constant 0 : i32
      %dma_wait3A_75 = tpu.memref_slice %arg14[%dma_wait3A_74] : memref<512xf32, #tpu.memory_space<vmem_shared>> -> memref<512xf32, #tpu.memory_space<vmem_shared>>
      tpu.wait_indirect_dma semaphore(%arg19 : memref<!tpu.dma_semaphore, #tpu.memory_space<semaphore_mem>>) src(%arg10 : memref<128xf32, #tpu.memory_space<vmem>>) dst(%dma_wait3A_75 : memref<512xf32, #tpu.memory_space<vmem_shared>>)
      %add3A_76 = arith.constant 2 : i32
      %add3A_77 = arith.addi %add3A_63, %add3A_76 : i32
      %lt3A = arith.constant 16 : i32
      %lt3A_78 = arith.cmpi slt, %add3A_77, %lt3A : i32
      %convert_element_type3A_79 = arith.extui %lt3A_78 : i1 to i32
      %cond3A_80 = arith.constant 0 : i32
      %cond3A_81 = arith.cmpi ne, %convert_element_type3A_79, %cond3A_80 : i32
      scf.if %cond3A_81 {
        %add3A_107 = arith.constant 2 : i32
        %add3A_108 = arith.addi %add3A_63, %add3A_107 : i32
        %mul3A_109 = arith.constant 128 : i32
        %mul3A_110 = arith.muli %add3A_108, %mul3A_109 : i32
        %add3A_111 = arith.addi %mul3A_5, %mul3A_110 : i32
        %dma_start3A_112 = arith.constant 0 : i32
        %dma_start3A_113 = tpu.memref_slice %arg2[%add3A_111, %dma_start3A_112] : memref<65536x128xf32, #tpu.memory_space<hbm>> -> memref<128x128xf32, #tpu.memory_space<hbm>>
        %dma_start3A_114 = arith.constant 0 : i32
        %dma_start3A_115 = tpu.memref_slice %arg2[%add3A_111, %dma_start3A_114] : memref<65536x128xf32, #tpu.memory_space<hbm>> -> memref<128x128xf32, #tpu.memory_space<hbm>>
        tpu.enqueue_dma source(%dma_start3A_115 : memref<128x128xf32, #tpu.memory_space<hbm>>) target(%arg6 : memref<128x128xf32, #tpu.memory_space<vmem>>) target_semaphore(%arg15 : memref<!tpu.dma_semaphore, #tpu.memory_space<semaphore_mem>>)
        %dma_start3A_116 = tpu.memref_slice %arg3[%add3A_111] : memref<65536xi32, #tpu.memory_space<hbm>> -> memref<128xi32, #tpu.memory_space<hbm>>
        %dma_start3A_117 = tpu.memref_slice %arg3[%add3A_111] : memref<65536xi32, #tpu.memory_space<hbm>> -> memref<128xi32, #tpu.memory_space<hbm>>
        tpu.enqueue_dma source(%dma_start3A_117 : memref<128xi32, #tpu.memory_space<hbm>>) target(%arg8 : memref<128xi32, #tpu.memory_space<vmem>>) target_semaphore(%arg17 : memref<!tpu.dma_semaphore, #tpu.memory_space<semaphore_mem>>)
      } else {
      }
      %mul3A_82 = arith.constant 2 : i32
      %mul3A_83 = arith.muli %mul3A_82, %scan3A_58 : i32
      %add3A_84 = arith.constant 1 : i32
      %add3A_85 = arith.addi %mul3A_83, %add3A_84 : i32
      %mul3A_86 = arith.constant 128 : i32
      %mul3A_87 = arith.muli %add3A_85, %mul3A_86 : i32
      %add3A_88 = arith.addi %mul3A_5, %mul3A_87 : i32
      %dma_wait3A_89 = arith.constant 0 : i32
      %dma_wait3A_90 = tpu.memref_slice %arg2[%add3A_88, %dma_wait3A_89] : memref<65536x128xf32, #tpu.memory_space<hbm>> -> memref<128x128xf32, #tpu.memory_space<hbm>>
      %dma_wait3A_91 = arith.constant 0 : i32
      %dma_wait3A_92 = tpu.memref_slice %arg2[%add3A_88, %dma_wait3A_91] : memref<65536x128xf32, #tpu.memory_space<hbm>> -> memref<128x128xf32, #tpu.memory_space<hbm>>
      tpu.wait_dma2 semaphore(%arg16 : memref<!tpu.dma_semaphore, #tpu.memory_space<semaphore_mem>>) src(%dma_wait3A_92 : memref<128x128xf32, #tpu.memory_space<hbm>>) dst(%arg7 : memref<128x128xf32, #tpu.memory_space<vmem>>)
      %dma_wait3A_93 = tpu.memref_slice %arg3[%add3A_88] : memref<65536xi32, #tpu.memory_space<hbm>> -> memref<128xi32, #tpu.memory_space<hbm>>
      %dma_wait3A_94 = tpu.memref_slice %arg3[%add3A_88] : memref<65536xi32, #tpu.memory_space<hbm>> -> memref<128xi32, #tpu.memory_space<hbm>>
      tpu.wait_dma2 semaphore(%arg18 : memref<!tpu.dma_semaphore, #tpu.memory_space<semaphore_mem>>) src(%dma_wait3A_94 : memref<128xi32, #tpu.memory_space<hbm>>) dst(%arg9 : memref<128xi32, #tpu.memory_space<vmem>>)
      %dma_start3A_95 = arith.constant 0 : i32
      %dma_start3A_96 = tpu.memref_slice %arg14[%dma_start3A_95] : memref<512xf32, #tpu.memory_space<vmem_shared>> -> memref<512xf32, #tpu.memory_space<vmem_shared>>
      tpu.enqueue_indirect_dma source(%arg10 : memref<128xf32, #tpu.memory_space<vmem>>) target(%dma_start3A_96 : memref<512xf32, #tpu.memory_space<vmem_shared>>) offsets(%arg9 : memref<128xi32, #tpu.memory_space<vmem>>) semaphore(%arg19 : memref<!tpu.dma_semaphore, #tpu.memory_space<semaphore_mem>>) {add = true}
      "tpu.region"() ({
        %run_scoped3A = tpu.sem_alloc : memref<!tpu.dma_semaphore, #tpu.memory_space<semaphore_mem>>
        %dma_start3A_107 = arith.constant 0 : i32
        %dma_start3A_108 = arith.constant 0 : i32
        %dma_start3A_109 = tpu.memref_slice %arg13[%dma_start3A_107, %dma_start3A_108] : memref<512x128xf32, #tpu.memory_space<vmem_shared>> -> memref<512x128xf32, #tpu.memory_space<vmem_shared>>
        tpu.enqueue_indirect_dma source(%arg7 : memref<128x128xf32, #tpu.memory_space<vmem>>) target(%dma_start3A_109 : memref<512x128xf32, #tpu.memory_space<vmem_shared>>) offsets(%arg9 : memref<128xi32, #tpu.memory_space<vmem>>) semaphore(%run_scoped3A : memref<!tpu.dma_semaphore, #tpu.memory_space<semaphore_mem>>) {add = true}
        %dma_wait3A_110 = arith.constant 0 : i32
        %dma_wait3A_111 = arith.constant 0 : i32
        %dma_wait3A_112 = tpu.memref_slice %arg13[%dma_wait3A_110, %dma_wait3A_111] : memref<512x128xf32, #tpu.memory_space<vmem_shared>> -> memref<512x128xf32, #tpu.memory_space<vmem_shared>>
        tpu.wait_indirect_dma semaphore(%run_scoped3A : memref<!tpu.dma_semaphore, #tpu.memory_space<semaphore_mem>>) src(%arg7 : memref<128x128xf32, #tpu.memory_space<vmem>>) dst(%dma_wait3A_112 : memref<512x128xf32, #tpu.memory_space<vmem_shared>>)
        tpu.yield
      }) : () -> ()
      %dma_wait3A_97 = arith.constant 0 : i32
      %dma_wait3A_98 = tpu.memref_slice %arg14[%dma_wait3A_97] : memref<512xf32, #tpu.memory_space<vmem_shared>> -> memref<512xf32, #tpu.memory_space<vmem_shared>>
      tpu.wait_indirect_dma semaphore(%arg19 : memref<!tpu.dma_semaphore, #tpu.memory_space<semaphore_mem>>) src(%arg10 : memref<128xf32, #tpu.memory_space<vmem>>) dst(%dma_wait3A_98 : memref<512xf32, #tpu.memory_space<vmem_shared>>)
      %add3A_99 = arith.constant 2 : i32
      %add3A_100 = arith.addi %add3A_85, %add3A_99 : i32
      %lt3A_101 = arith.constant 16 : i32
      %lt3A_102 = arith.cmpi slt, %add3A_100, %lt3A_101 : i32
      %convert_element_type3A_103 = arith.extui %lt3A_102 : i1 to i32
      %cond3A_104 = arith.constant 0 : i32
      %cond3A_105 = arith.cmpi ne, %convert_element_type3A_103, %cond3A_104 : i32
      scf.if %cond3A_105 {
        %add3A_107 = arith.constant 2 : i32
        %add3A_108 = arith.addi %add3A_85, %add3A_107 : i32
        %mul3A_109 = arith.constant 128 : i32
        %mul3A_110 = arith.muli %add3A_108, %mul3A_109 : i32
        %add3A_111 = arith.addi %mul3A_5, %mul3A_110 : i32
        %dma_start3A_112 = arith.constant 0 : i32
        %dma_start3A_113 = tpu.memref_slice %arg2[%add3A_111, %dma_start3A_112] : memref<65536x128xf32, #tpu.memory_space<hbm>> -> memref<128x128xf32, #tpu.memory_space<hbm>>
        %dma_start3A_114 = arith.constant 0 : i32
        %dma_start3A_115 = tpu.memref_slice %arg2[%add3A_111, %dma_start3A_114] : memref<65536x128xf32, #tpu.memory_space<hbm>> -> memref<128x128xf32, #tpu.memory_space<hbm>>
        tpu.enqueue_dma source(%dma_start3A_115 : memref<128x128xf32, #tpu.memory_space<hbm>>) target(%arg7 : memref<128x128xf32, #tpu.memory_space<vmem>>) target_semaphore(%arg16 : memref<!tpu.dma_semaphore, #tpu.memory_space<semaphore_mem>>)
        %dma_start3A_116 = tpu.memref_slice %arg3[%add3A_111] : memref<65536xi32, #tpu.memory_space<hbm>> -> memref<128xi32, #tpu.memory_space<hbm>>
        %dma_start3A_117 = tpu.memref_slice %arg3[%add3A_111] : memref<65536xi32, #tpu.memory_space<hbm>> -> memref<128xi32, #tpu.memory_space<hbm>>
        tpu.enqueue_dma source(%dma_start3A_117 : memref<128xi32, #tpu.memory_space<hbm>>) target(%arg9 : memref<128xi32, #tpu.memory_space<vmem>>) target_semaphore(%arg18 : memref<!tpu.dma_semaphore, #tpu.memory_space<semaphore_mem>>)
      } else {
      }
      %scan3A_106 = arith.constant 0 : i32
      scf.yield %scan3A_106 : i32
    }
    %scan3A_51 = arith.constant 8 : i32
    %barrier3A_52 = arith.constant 0 : index
    tpu.barrier barrier_id(%barrier3A_52)
    "tpu.region"() ({
      %run_scoped3A = tpu.sem_alloc : memref<!tpu.dma_semaphore, #tpu.memory_space<semaphore_mem>>
      %dma_start3A_58 = arith.constant 0 : i32
      %dma_start3A_59 = tpu.memref_slice %arg13[%mul3A_42, %dma_start3A_58] : memref<512x128xf32, #tpu.memory_space<vmem_shared>> -> memref<32x128xf32, #tpu.memory_space<vmem_shared>>
      %dma_start3A_60 = arith.constant 0 : i32
      %dma_start3A_61 = tpu.memref_slice %arg13[%mul3A_42, %dma_start3A_60] : memref<512x128xf32, #tpu.memory_space<vmem_shared>> -> memref<32x128xf32, #tpu.memory_space<vmem_shared>>
      tpu.enqueue_dma source(%dma_start3A_61 : memref<32x128xf32, #tpu.memory_space<vmem_shared>>) target(%arg11 : memref<32x128xf32, #tpu.memory_space<vmem>>) target_semaphore(%run_scoped3A : memref<!tpu.dma_semaphore, #tpu.memory_space<semaphore_mem>>)
      %dma_wait3A = arith.constant 0 : i32
      %dma_wait3A_62 = tpu.memref_slice %arg13[%mul3A_42, %dma_wait3A] : memref<512x128xf32, #tpu.memory_space<vmem_shared>> -> memref<32x128xf32, #tpu.memory_space<vmem_shared>>
      %dma_wait3A_63 = arith.constant 0 : i32
      %dma_wait3A_64 = tpu.memref_slice %arg13[%mul3A_42, %dma_wait3A_63] : memref<512x128xf32, #tpu.memory_space<vmem_shared>> -> memref<32x128xf32, #tpu.memory_space<vmem_shared>>
      tpu.wait_dma2 semaphore(%run_scoped3A : memref<!tpu.dma_semaphore, #tpu.memory_space<semaphore_mem>>) src(%dma_wait3A_64 : memref<32x128xf32, #tpu.memory_space<vmem_shared>>) dst(%arg11 : memref<32x128xf32, #tpu.memory_space<vmem>>)
      tpu.yield
    }) : () -> ()
    "tpu.region"() ({
      %run_scoped3A = tpu.sem_alloc : memref<!tpu.dma_semaphore, #tpu.memory_space<semaphore_mem>>
      %dma_start3A_58 = arith.constant 0 : i32
      %dma_start3A_59 = tpu.memref_slice %arg4[%arg0, %mul3A_42, %dma_start3A_58] : memref<2x512x128xf32, #tpu.memory_space<hbm>> -> memref<1x32x128xf32, #tpu.memory_space<hbm>>
      %dma_start3A_60 = tpu.memref_squeeze %dma_start3A_59 : memref<1x32x128xf32, #tpu.memory_space<hbm>> -> memref<32x128xf32, #tpu.memory_space<hbm>>
      %dma_start3A_61 = arith.constant 0 : i32
      %dma_start3A_62 = tpu.memref_slice %arg4[%arg0, %mul3A_42, %dma_start3A_61] : memref<2x512x128xf32, #tpu.memory_space<hbm>> -> memref<1x32x128xf32, #tpu.memory_space<hbm>>
      %dma_start3A_63 = tpu.memref_squeeze %dma_start3A_62 : memref<1x32x128xf32, #tpu.memory_space<hbm>> -> memref<32x128xf32, #tpu.memory_space<hbm>>
      tpu.enqueue_dma source(%arg11 : memref<32x128xf32, #tpu.memory_space<vmem>>) target(%dma_start3A_63 : memref<32x128xf32, #tpu.memory_space<hbm>>) target_semaphore(%run_scoped3A : memref<!tpu.dma_semaphore, #tpu.memory_space<semaphore_mem>>)
      %dma_wait3A = arith.constant 0 : i32
      %dma_wait3A_64 = tpu.memref_slice %arg4[%arg0, %mul3A_42, %dma_wait3A] : memref<2x512x128xf32, #tpu.memory_space<hbm>> -> memref<1x32x128xf32, #tpu.memory_space<hbm>>
      %dma_wait3A_65 = tpu.memref_squeeze %dma_wait3A_64 : memref<1x32x128xf32, #tpu.memory_space<hbm>> -> memref<32x128xf32, #tpu.memory_space<hbm>>
      %dma_wait3A_66 = arith.constant 0 : i32
      %dma_wait3A_67 = tpu.memref_slice %arg4[%arg0, %mul3A_42, %dma_wait3A_66] : memref<2x512x128xf32, #tpu.memory_space<hbm>> -> memref<1x32x128xf32, #tpu.memory_space<hbm>>
      %dma_wait3A_68 = tpu.memref_squeeze %dma_wait3A_67 : memref<1x32x128xf32, #tpu.memory_space<hbm>> -> memref<32x128xf32, #tpu.memory_space<hbm>>
      tpu.wait_dma2 semaphore(%run_scoped3A : memref<!tpu.dma_semaphore, #tpu.memory_space<semaphore_mem>>) src(%arg11 : memref<32x128xf32, #tpu.memory_space<vmem>>) dst(%dma_wait3A_68 : memref<32x128xf32, #tpu.memory_space<hbm>>)
      tpu.yield
    }) : () -> ()
    %eq3A_53 = arith.constant 0 : i32
    %eq3A_54 = arith.cmpi eq, %arg1, %eq3A_53 : i32
    %convert_element_type3A_55 = arith.extui %eq3A_54 : i1 to i32
    %cond3A_56 = arith.constant 0 : i32
    %cond3A_57 = arith.cmpi ne, %convert_element_type3A_55, %cond3A_56 : i32
    scf.if %cond3A_57 {
      "tpu.region"() ({
        %run_scoped3A = tpu.sem_alloc : memref<!tpu.dma_semaphore, #tpu.memory_space<semaphore_mem>>
        tpu.enqueue_dma source(%arg14 : memref<512xf32, #tpu.memory_space<vmem_shared>>) target(%arg12 : memref<512xf32, #tpu.memory_space<vmem>>) target_semaphore(%run_scoped3A : memref<!tpu.dma_semaphore, #tpu.memory_space<semaphore_mem>>)
        tpu.wait_dma2 semaphore(%run_scoped3A : memref<!tpu.dma_semaphore, #tpu.memory_space<semaphore_mem>>) src(%arg14 : memref<512xf32, #tpu.memory_space<vmem_shared>>) dst(%arg12 : memref<512xf32, #tpu.memory_space<vmem>>)
        tpu.yield
      }) : () -> ()
      "tpu.region"() ({
        %run_scoped3A = tpu.sem_alloc : memref<!tpu.dma_semaphore, #tpu.memory_space<semaphore_mem>>
        %dma_start3A_58 = arith.constant 0 : i32
        %dma_start3A_59 = tpu.memref_slice %arg5[%arg0, %dma_start3A_58] : memref<2x512xf32, #tpu.memory_space<hbm>> -> memref<1x512xf32, #tpu.memory_space<hbm>>
        %dma_start3A_60 = tpu.memref_squeeze %dma_start3A_59 : memref<1x512xf32, #tpu.memory_space<hbm>> -> memref<512xf32, #tpu.memory_space<hbm>>
        %dma_start3A_61 = arith.constant 0 : i32
        %dma_start3A_62 = tpu.memref_slice %arg5[%arg0, %dma_start3A_61] : memref<2x512xf32, #tpu.memory_space<hbm>> -> memref<1x512xf32, #tpu.memory_space<hbm>>
        %dma_start3A_63 = tpu.memref_squeeze %dma_start3A_62 : memref<1x512xf32, #tpu.memory_space<hbm>> -> memref<512xf32, #tpu.memory_space<hbm>>
        tpu.enqueue_dma source(%arg12 : memref<512xf32, #tpu.memory_space<vmem>>) target(%dma_start3A_63 : memref<512xf32, #tpu.memory_space<hbm>>) target_semaphore(%run_scoped3A : memref<!tpu.dma_semaphore, #tpu.memory_space<semaphore_mem>>)
        %dma_wait3A = arith.constant 0 : i32
        %dma_wait3A_64 = tpu.memref_slice %arg5[%arg0, %dma_wait3A] : memref<2x512xf32, #tpu.memory_space<hbm>> -> memref<1x512xf32, #tpu.memory_space<hbm>>
        %dma_wait3A_65 = tpu.memref_squeeze %dma_wait3A_64 : memref<1x512xf32, #tpu.memory_space<hbm>> -> memref<512xf32, #tpu.memory_space<hbm>>
        %dma_wait3A_66 = arith.constant 0 : i32
        %dma_wait3A_67 = tpu.memref_slice %arg5[%arg0, %dma_wait3A_66] : memref<2x512xf32, #tpu.memory_space<hbm>> -> memref<1x512xf32, #tpu.memory_space<hbm>>
        %dma_wait3A_68 = tpu.memref_squeeze %dma_wait3A_67 : memref<1x512xf32, #tpu.memory_space<hbm>> -> memref<512xf32, #tpu.memory_space<hbm>>
        tpu.wait_dma2 semaphore(%run_scoped3A : memref<!tpu.dma_semaphore, #tpu.memory_space<semaphore_mem>>) src(%arg12 : memref<512xf32, #tpu.memory_space<vmem>>) dst(%dma_wait3A_68 : memref<512xf32, #tpu.memory_space<hbm>>)
        tpu.yield
      }) : () -> ()
    } else {
    }
    return
  }
}

module attributes {stable_mosaic.version = 14 : i64} {
  func.func @_tc_body(%arg0: i32, %arg1: memref<2x512x128xf32, #tpu.memory_space<vmem>>, %arg2: memref<2x512xf32, #tpu.memory_space<vmem>>, %arg3: memref<2048x128xf32, #tpu.memory_space<vmem>>, %arg4: memref<128x128xf32, #tpu.memory_space<vmem>>, %arg5: memref<1x128xf32, #tpu.memory_space<vmem>>, %arg6: memref<2048x512xf32, #tpu.memory_space<vmem>>, %arg7: memref<512x128xf32, #tpu.memory_space<vmem>>, %arg8: memref<1x512xf32, #tpu.memory_space<vmem>>) attributes {dimension_semantics = [#tpu.dimension_semantics<arbitrary>], iteration_bounds = array<i64: 4>, scalar_prefetch = 0 : i64, scratch_operands = 2 : i64, tpu.core_type = #tpu.core_type<tc>, window_params = [{pipeline_mode = #tpu.pipeline_mode<synchronous>, transform_indices = @transform_0, window_bounds = array<i64: 2, 512, 128>}, {pipeline_mode = #tpu.pipeline_mode<synchronous>, transform_indices = @transform_1, window_bounds = array<i64: 2, 512>}, {transform_indices = @transform_2, window_bounds = array<i64: 2048, 128>}, {pipeline_mode = #tpu.pipeline_mode<synchronous>, transform_indices = @transform_3, window_bounds = array<i64: 128, 128>}, {pipeline_mode = #tpu.pipeline_mode<synchronous>, transform_indices = @transform_4, window_bounds = array<i64: 1, 128>}, {transform_indices = @transform_5, window_bounds = array<i64: 2048, 512>}]} {
    %eq3A = arith.constant 0 : i32
    %eq3A_0 = arith.cmpi eq, %arg0, %eq3A : i32
    %convert_element_type3A = arith.extui %eq3A_0 : i1 to i32
    %cond3A = arith.constant 0 : i32
    %cond3A_1 = arith.cmpi ne, %convert_element_type3A, %cond3A : i32
    scf.if %cond3A_1 {
      %get3A_31 = arith.constant 0 : index
      %get3A_32 = arith.constant 0 : index
      %get3A_33 = arith.constant 0 : index
      %get3A_34 = vector.load %arg1[%get3A_31, %get3A_32, %get3A_33] : memref<2x512x128xf32, #tpu.memory_space<vmem>>, vector<1x512x128xf32>
      %get3A_35 = vector.shape_cast %get3A_34 : vector<1x512x128xf32> to vector<512x128xf32>
      %get3A_36 = arith.constant 1 : index
      %get3A_37 = arith.constant 0 : index
      %get3A_38 = arith.constant 0 : index
      %get3A_39 = vector.load %arg1[%get3A_36, %get3A_37, %get3A_38] : memref<2x512x128xf32, #tpu.memory_space<vmem>>, vector<1x512x128xf32>
      %get3A_40 = vector.shape_cast %get3A_39 : vector<1x512x128xf32> to vector<512x128xf32>
      %add3A_41 = arith.addf %get3A_35, %get3A_40 : vector<512x128xf32>
      %get3A_42 = arith.constant 0 : index
      %get3A_43 = arith.constant 0 : index
      %get3A_44 = vector.load %arg4[%get3A_42, %get3A_43] : memref<128x128xf32, #tpu.memory_space<vmem>>, vector<128x128xf32>
      %dot_general3A_45 = arith.constant dense<0.000000e+00> : vector<512x128xf32>
      %dot_general3A_46 = tpu.matmul %add3A_41, %get3A_44, %dot_general3A_45 {dimension_numbers = #tpu.dot_dimension_numbers<[1], [0], [0], [1], [0, 0, 1, 1], [], []>, transpose_lhs_hint = false} : vector<512x128xf32>, vector<128x128xf32>, vector<512x128xf32> -> vector<512x128xf32>
      %get3A_47 = arith.constant 0 : index
      %get3A_48 = arith.constant 0 : index
      %get3A_49 = vector.load %arg2[%get3A_47, %get3A_48] : memref<2x512xf32, #tpu.memory_space<vmem>>, vector<2x512xf32>
      %reduce_sum3A_50 = arith.constant dense<0.000000e+00> : vector<512xf32>
      %reduce_sum3A_51 = vector.multi_reduction <add>, %get3A_49, %reduce_sum3A_50 [0] : vector<2x512xf32> to vector<512xf32>
      %broadcast_in_dim3A_52 = vector.shape_cast %reduce_sum3A_51 : vector<512xf32> to vector<1x512xf32>
      %transpose3A = tpu.transpose %broadcast_in_dim3A_52, [1, 0] : vector<1x512xf32> -> vector<512x1xf32>
      %gt3A = arith.constant 5.000000e-01 : f32
      %gt3A_53 = vector.broadcast %gt3A : f32 to vector<512x1xf32>
      %gt3A_54 = arith.cmpf ogt, %transpose3A, %gt3A_53 : vector<512x1xf32>
      %jit3A = arith.constant 1.000000e+00 : f32
      %broadcast_in_dim3A_55 = vector.broadcast %jit3A : f32 to vector<512x1xf32>
      %select_n3A = arith.select %gt3A_54, %transpose3A, %broadcast_in_dim3A_55 : vector<512x1xi1>, vector<512x1xf32>
      %div3A = arith.constant 1.000000e+00 : f32
      %div3A_56 = vector.broadcast %div3A : f32 to vector<512x1xf32>
      %div3A_57 = arith.divf %div3A_56, %select_n3A : vector<512x1xf32>
      %jit3A_58 = arith.constant 0.000000e+00 : f32
      %broadcast_in_dim3A_59 = vector.broadcast %jit3A_58 : f32 to vector<512x1xf32>
      %select_n3A_60 = arith.select %gt3A_54, %div3A_57, %broadcast_in_dim3A_59 : vector<512x1xi1>, vector<512x1xf32>
      %jit3A_61 = arith.constant 1.000000e+00 : f32
      %jit3A_62 = arith.constant 0.000000e+00 : f32
      %broadcast_in_dim3A_63 = vector.broadcast %jit3A_61 : f32 to vector<512x1xf32>
      %broadcast_in_dim3A_64 = vector.broadcast %jit3A_62 : f32 to vector<512x1xf32>
      %select_n3A_65 = arith.select %gt3A_54, %broadcast_in_dim3A_63, %broadcast_in_dim3A_64 : vector<512x1xi1>, vector<512x1xf32>
      %mul3A_66 = vector.broadcast %select_n3A_60 : vector<512x1xf32> to vector<512x128xf32>
      %mul3A_67 = arith.mulf %dot_general3A_46, %mul3A_66 : vector<512x128xf32>
      %get3A_68 = arith.constant 0 : index
      %get3A_69 = arith.constant 0 : index
      %get3A_70 = vector.load %arg5[%get3A_68, %get3A_69] : memref<1x128xf32, #tpu.memory_space<vmem>>, vector<1x128xf32>
      %mul3A_71 = vector.broadcast %get3A_70 : vector<1x128xf32> to vector<512x128xf32>
      %mul3A_72 = vector.broadcast %select_n3A_65 : vector<512x1xf32> to vector<512x128xf32>
      %mul3A_73 = arith.mulf %mul3A_71, %mul3A_72 : vector<512x128xf32>
      %add3A_74 = arith.addf %mul3A_67, %mul3A_73 : vector<512x128xf32>
      %broadcast_in_dim3A_75 = arith.constant 1.000000e+00 : f32
      %broadcast_in_dim3A_76 = vector.broadcast %broadcast_in_dim3A_75 : f32 to vector<1x128xf32>
      %mul3A_77 = arith.mulf %add3A_74, %add3A_74 : vector<512x128xf32>
      %dot_general3A_78 = arith.constant dense<0.000000e+00> : vector<1x512xf32>
      %dot_general3A_79 = tpu.matmul %broadcast_in_dim3A_76, %mul3A_77, %dot_general3A_78 {dimension_numbers = #tpu.dot_dimension_numbers<[1], [1], [0], [0], [0, 0, 1, 0], [], []>, transpose_lhs_hint = false} : vector<1x128xf32>, vector<512x128xf32>, vector<1x512xf32> -> vector<1x512xf32>
      %swap3A_80 = arith.constant 0 : index
      %swap3A_81 = arith.constant 0 : index
      %swap3A_82 = vector.load %arg8[%swap3A_80, %swap3A_81] : memref<1x512xf32, #tpu.memory_space<vmem>>, vector<1x512xf32>
      tpu.vector_store %arg8[%swap3A_80, %swap3A_81], %dot_general3A_79 {strides = array<i32>} : memref<1x512xf32, #tpu.memory_space<vmem>>, vector<1x512xf32>,
      %mul3A_83 = arith.constant -2.000000e+00 : f32
      %mul3A_84 = vector.broadcast %mul3A_83 : f32 to vector<512x128xf32>
      %mul3A_85 = arith.mulf %mul3A_84, %add3A_74 : vector<512x128xf32>
      %swap3A_86 = arith.constant 0 : index
      %swap3A_87 = arith.constant 0 : index
      %swap3A_88 = vector.load %arg7[%swap3A_86, %swap3A_87] : memref<512x128xf32, #tpu.memory_space<vmem>>, vector<512x128xf32>
      tpu.vector_store %arg7[%swap3A_86, %swap3A_87], %mul3A_85 {strides = array<i32>} : memref<512x128xf32, #tpu.memory_space<vmem>>, vector<512x128xf32>,
    } else {
    }
    %get3A = arith.constant 0 : index
    %get3A_2 = arith.constant 0 : index
    %get3A_3 = vector.load %arg3[%get3A, %get3A_2] : memref<2048x128xf32, #tpu.memory_space<vmem>>, vector<2048x128xf32>
    %get3A_4 = arith.constant 0 : index
    %get3A_5 = arith.constant 0 : index
    %get3A_6 = vector.load %arg4[%get3A_4, %get3A_5] : memref<128x128xf32, #tpu.memory_space<vmem>>, vector<128x128xf32>
    %dot_general3A = arith.constant dense<0.000000e+00> : vector<2048x128xf32>
    %dot_general3A_7 = tpu.matmul %get3A_3, %get3A_6, %dot_general3A {dimension_numbers = #tpu.dot_dimension_numbers<[1], [0], [0], [1], [0, 0, 1, 1], [], []>, transpose_lhs_hint = false} : vector<2048x128xf32>, vector<128x128xf32>, vector<2048x128xf32> -> vector<2048x128xf32>
    %get3A_8 = arith.constant 0 : index
    %get3A_9 = arith.constant 0 : index
    %get3A_10 = vector.load %arg5[%get3A_8, %get3A_9] : memref<1x128xf32, #tpu.memory_space<vmem>>, vector<1x128xf32>
    %add3A = vector.broadcast %get3A_10 : vector<1x128xf32> to vector<2048x128xf32>
    %add3A_11 = arith.addf %dot_general3A_7, %add3A : vector<2048x128xf32>
    %mul3A = arith.mulf %add3A_11, %add3A_11 : vector<2048x128xf32>
    %reduce_sum3A = arith.constant dense<0.000000e+00> : vector<2048xf32>
    %reduce_sum3A_12 = vector.multi_reduction <add>, %mul3A, %reduce_sum3A [1] : vector<2048x128xf32> to vector<2048xf32>
    %broadcast_in_dim3A = vector.shape_cast %reduce_sum3A_12 : vector<2048xf32> to vector<2048x1xf32>
    %get3A_13 = arith.constant 0 : index
    %get3A_14 = arith.constant 0 : index
    %get3A_15 = vector.load %arg7[%get3A_13, %get3A_14] : memref<512x128xf32, #tpu.memory_space<vmem>>, vector<512x128xf32>
    %dot_general3A_16 = arith.constant dense<0.000000e+00> : vector<2048x512xf32>
    %dot_general3A_17 = tpu.matmul %add3A_11, %get3A_15, %dot_general3A_16 {dimension_numbers = #tpu.dot_dimension_numbers<[1], [1], [0], [0], [0, 0, 1, 0], [], []>, transpose_lhs_hint = false} : vector<2048x128xf32>, vector<512x128xf32>, vector<2048x512xf32> -> vector<2048x512xf32>
    %get3A_18 = arith.constant 0 : index
    %get3A_19 = arith.constant 0 : index
    %get3A_20 = vector.load %arg8[%get3A_18, %get3A_19] : memref<1x512xf32, #tpu.memory_space<vmem>>, vector<1x512xf32>
    %add3A_21 = vector.broadcast %broadcast_in_dim3A : vector<2048x1xf32> to vector<2048x512xf32>
    %add3A_22 = vector.broadcast %get3A_20 : vector<1x512xf32> to vector<2048x512xf32>
    %add3A_23 = arith.addf %add3A_21, %add3A_22 : vector<2048x512xf32>
    %add3A_24 = arith.addf %add3A_23, %dot_general3A_17 : vector<2048x512xf32>
    %max3A = arith.constant 0.000000e+00 : f32
    %max3A_25 = vector.broadcast %max3A : f32 to vector<2048x512xf32>
    %max3A_26 = arith.maximumf %add3A_24, %max3A_25 : vector<2048x512xf32>
    %sqrt3A = math.sqrt %max3A_26 : vector<2048x512xf32>
    %neg3A = arith.constant 0.000000e+00 : f32
    %neg3A_27 = vector.broadcast %neg3A : f32 to vector<2048x512xf32>
    %neg3A_28 = arith.subf %neg3A_27, %sqrt3A : vector<2048x512xf32>
    %swap3A = arith.constant 0 : index
    %swap3A_29 = arith.constant 0 : index
    %swap3A_30 = vector.load %arg6[%swap3A, %swap3A_29] : memref<2048x512xf32, #tpu.memory_space<vmem>>, vector<2048x512xf32>
    tpu.vector_store %arg6[%swap3A, %swap3A_29], %neg3A_28 {strides = array<i32>} : memref<2048x512xf32, #tpu.memory_space<vmem>>, vector<2048x512xf32>,
    return
  }
  func.func @transform_0(%arg0: i32) -> (i32, i32, i32) {
    %c0_i32 = arith.constant 0 : i32
    %c0_i32_0 = arith.constant 0 : i32
    %c0_i32_1 = arith.constant 0 : i32
    %c0_i32_2 = arith.constant 0 : i32
    return %c0_i32, %c0_i32_0, %c0_i32_1 : i32, i32, i32
  }
  func.func @transform_1(%arg0: i32) -> (i32, i32) {
    %c0_i32 = arith.constant 0 : i32
    %c0_i32_0 = arith.constant 0 : i32
    %c0_i32_1 = arith.constant 0 : i32
    return %c0_i32, %c0_i32_0 : i32, i32
  }
  func.func @transform_2(%arg0: i32) -> (i32, i32) {
    %c0_i32 = arith.constant 0 : i32
    %c0_i32_0 = arith.constant 0 : i32
    return %arg0, %c0_i32 : i32, i32
  }
  func.func @transform_3(%arg0: i32) -> (i32, i32) {
    %c0_i32 = arith.constant 0 : i32
    %c0_i32_0 = arith.constant 0 : i32
    %c0_i32_1 = arith.constant 0 : i32
    return %c0_i32, %c0_i32_0 : i32, i32
  }
  func.func @transform_4(%arg0: i32) -> (i32, i32) {
    %c0_i32 = arith.constant 0 : i32
    %c0_i32_0 = arith.constant 0 : i32
    %c0_i32_1 = arith.constant 0 : i32
    return %c0_i32, %c0_i32_0 : i32, i32
  }
  func.func @transform_5(%arg0: i32) -> (i32, i32) {
    %c0_i32 = arith.constant 0 : i32
    %c0_i32_0 = arith.constant 0 : i32
    return %arg0, %c0_i32 : i32, i32
  }
}

</mosaic_0001>

<sc_bundles>
// kernel: kernel.4.cloned.1.call-start
scs
__scs_entry_jumppad:
0x0: {  	(pc) =	sbr.rel $0x88, $3  }
0x1: {  	(tag) =	ssettag $0x0;
	lr =	simm.s32 $0x1  }
0x2: {  	[smem:$0x3F9C] =	sst lr;
	_ =	strace $0xD0000000  }
0x3: {  	_ = 	snop  }
0x4: {  	_ = 	snop  }
0x5: {  	_ = 	snop  }
0x6: {  	_ = 	snop  }
0x7: {  	_ = 	snop  }
__scs_overlays_trampoline_lowered:
0x8: {  	[smem:$0x3FAB] =	sst s0  }
0x9: {  	[smem:$0x3FAC] =	sst s1  }
0xa: {  	[smem:$0x3FAD] =	sst s2  }
0xb: {  	[smem:$0x3FAE] =	sst s3  }
0xc: {  	[smem:$0x3FAF] =	sst s4  }
0xd: {  	[smem:$0x3FB0] =	sst s5  }
0xe: {  	[smem:$0x3FB1] =	sst s6  }
0xf: {  	[smem:$0x3FB2] =	sst s7  }
0x10: {  	[smem:$0x3FB3] =	sst s8  }
0x11: {  	[smem:$0x3FB4] =	sst s9;
	s0 =	simm.s32 @!p0 $0x0  }
0x12: {  	s1 =	sld [smem:$0x3F9A];
	s0 =	simm.s32 @p0 $0x1  }
0x13: {  	[smem:$0x3FB5] =	sst s0;
	s0 =	simm.s32 @!p1 $0x0  }
0x14: {  	s2 =	sld [smem:$0x3F99];
	s0 =	simm.s32 @p1 $0x1  }
0x15: {  	[smem:$0x3FB6] =	sst s0;
	s0 =	simm.s32 @!p2 $0x0  }
0x16: {  	s3 =	sld [smem:$0x3FDB];
	s0 =	simm.s32 @p2 $0x1  }
0x17: {  	s4 =	simm.s32 $0x1BF5;
	[smem:$0x3FB8] =	sst s0  }
0x18: {  	s0 =	sld [smem:$0x3F9B];
	_ =	swait.ge [sflag:s4], $0x0  }
0x19: {  	s7 =	sld [smem:$0x3F9C]  }
0x1a: {  	s8 =	sadd.s32 $0xFFFFE003, lr  }
0x1b: {  	s9 =	sadd.s32 $0xFFFFFEF7, lr;
	s5 =	simm.s32 $0xFFFFFFFF;
	p2 =	slt.u32 s8, $0xFFFFF086  }
0x1c: {  	p1 =	slt.u32 s9, $0xF7A;
	s5 =	simm.s32 @!p2 $0x0  }
0x1d: {  	s5 =	simm.s32 @p1 $0x1;
	p0 =	seq.s32 s7, s2  }
0x1e: {  	s7 =	smul.u32 @!p0 $0xF7A, s2;
	p2 =	seq.s32 @!p0 s5, $0x0  }
0x1f: {  	s9 =	smul.u32 $0xF7A, s1;
	s8 =	simm.s32 @!p0 $0x1BF5;
	p2 =	por !p2, p0  }
0x20: {  	[sflag:s8] =	ssyncset.s32 @!p0 $0xFFFFF086;
	s6 =	sadd.s32 @!p0 s3, s7;
	s7 =	simm.s32 @!p0 $0x108  }
0x21: {  	s3 =	sadd.s32 s3, s9;
	s6 =	sadd.s32 @!p0 $0x88, s6;
	s7 =	simm.s32 @p2 $0x1082  }
0x22: {  	[simem:s7], [sflag:s8] =	dma.local @!p0 [hbm:s6], $0xF7A  }
0x23: {  	s9 =	sor.u32 $0xD0000000, s2;
	s6 =	simm.s32 $0x108;
	_ =	swait.ge @!p0 [sflag:s8], $0x0  }
0x24: {  	s3 =	sadd.s32 $0x88, s3;
	s6 =	simm.s32 @!p1 $0x1082;
	[sflag:s4] =	ssyncset.s32 $0xFFFFF086  }
0x25: {  	[simem:s6], [sflag:s4] =	dma.local [hbm:s3], $0xF7A  }
0x26: {  	[smem:$0x3F9C] =	sst s1;
	(tag) =	ssettag s2;
	_ =	strace s9  }
0x27: {  	s1 =	sld [smem:$0x3FAC]  }
0x28: {  	s2 =	sld [smem:$0x3FAD]  }
0x29: {  	s4 =	sld [smem:$0x3FAF]  }
0x2a: {  	p0 =	seq.s32 s5, $0x0;
	s5 =	sld [smem:$0x3FB0]  }
0x2b: {  	s6 =	sld [smem:$0x3FB1]  }
0x2c: {  	s7 =	sld [smem:$0x3FB2]  }
0x2d: {  	s3 =	simm.s32 $0x108;
	s8 =	sld [smem:$0x3FB3]  }
0x2e: {  	s3 =	simm.s32 @!p0 $0x1082;
	s9 =	sld [smem:$0x3FB4]  }
0x2f: {  	lr =	sadd.s32 s0, s3;
	s0 =	sld [smem:$0x3FAB]  }
0x30: {  	s3 =	sld [smem:$0x3FAE]  }
0x31: {  	[smem:$0x3FB7] =	sst s10  }
0x32: {  	s10 =	sld [smem:$0x3FB5];
	_ =	sdelay $0x3  }
0x33: {  	p0 =	seq.s32 s10, $0x1;
	s10 =	sld [smem:$0x3FB7];
	_ =	sdelay $0x3  }
0x34: {  	[smem:$0x3FB7] =	sst s10  }
0x35: {  	s10 =	sld [smem:$0x3FB6];
	_ =	sdelay $0x3  }
0x36: {  	p1 =	seq.s32 s10, $0x1;
	s10 =	sld [smem:$0x3FB7];
	_ =	sdelay $0x3  }
0x37: {  	[smem:$0x3FB7] =	sst s10  }
0x38: {  	s10 =	sld [smem:$0x3FB8]  }
0x39: {  	_ = 	snop;
	(pc) =	sbr.ind lr, $3  }
0x3a: {  	_ = 	snop  }
0x3b: {  	_ = 	snop  }
0x3c: {  	p2 =	seq.s32 s10, $0x1;
	s10 =	sld [smem:$0x3FB7]  }
0x3d: {  	_ =	shalt  }
0x3e: {  	_ =	shalt  }
0x3f: {  	_ =	shalt  }
0x40: {  	_ =	shalt  }
0x41: {  	_ =	shalt  }
0x42: {  	_ =	shalt  }
0x43: {  	_ =	shalt  }
0x44: {  	_ =	shalt  }
0x45: {  	_ =	shalt  }
0x46: {  	_ =	shalt  }
0x47: {  	_ =	shalt  }
0x48: {  	_ =	shalt  }
0x49: {  	_ =	shalt  }
0x4a: {  	_ =	shalt  }
0x4b: {  	_ =	shalt  }
0x4c: {  	_ =	shalt  }
0x4d: {  	_ =	shalt  }
0x4e: {  	_ =	shalt  }
0x4f: {  	_ =	shalt  }
0x50: {  	_ =	shalt  }
0x51: {  	_ =	shalt  }
0x52: {  	_ =	shalt  }
0x53: {  	_ =	shalt  }
0x54: {  	_ =	shalt  }
0x55: {  	_ =	shalt  }
0x56: {  	_ =	shalt  }
0x57: {  	_ =	shalt  }
0x58: {  	_ =	shalt  }
0x59: {  	_ =	shalt  }
0x5a: {  	_ =	shalt  }
0x5b: {  	_ =	shalt  }
0x5c: {  	_ =	shalt  }
0x5d: {  	_ =	shalt  }
0x5e: {  	_ =	shalt  }
0x5f: {  	_ =	shalt  }
0x60: {  	_ =	shalt  }
0x61: {  	_ =	shalt  }
0x62: {  	_ =	shalt  }
0x63: {  	_ =	shalt  }
0x64: {  	_ =	shalt  }
0x65: {  	_ =	shalt  }
0x66: {  	_ =	shalt  }
0x67: {  	_ =	shalt  }
0x68: {  	_ =	shalt  }
0x69: {  	_ =	shalt  }
0x6a: {  	_ =	shalt  }
0x6b: {  	_ =	shalt  }
0x6c: {  	_ =	shalt  }
0x6d: {  	_ =	shalt  }
0x6e: {  	_ =	shalt  }
0x6f: {  	_ =	shalt  }
0x70: {  	_ =	shalt  }
0x71: {  	_ =	shalt  }
0x72: {  	_ =	shalt  }
0x73: {  	_ =	shalt  }
0x74: {  	_ =	shalt  }
0x75: {  	_ =	shalt  }
0x76: {  	_ =	shalt  }
0x77: {  	_ =	shalt  }
0x78: {  	_ =	shalt  }
0x79: {  	_ =	shalt  }
0x7a: {  	_ =	shalt  }
0x7b: {  	_ =	shalt  }
0x7c: {  	_ =	shalt  }
0x7d: {  	_ =	shalt  }
0x7e: {  	_ =	shalt  }
0x7f: {  	_ =	shalt  }
0x80: {  	_ =	shalt  }
0x81: {  	_ =	shalt  }
0x82: {  	_ =	shalt  }
0x83: {  	_ =	shalt  }
0x84: {  	_ =	shalt  }
0x85: {  	_ =	shalt  }
0x86: {  	_ =	shalt  }
0x87: {  	_ =	shalt  }
.Lfunc_end0:
.L_simem_size_0:
called_computation_lowered:
.L_overlay_start_0:
0x88: {  	s2 =	sld [smem:$0x3FD9]  }
0x89: {  	s3 =	sld [smem:$0x3FFE];
	_ =	sdelay $0x1  }
0x8a: {  	s1 =	srdreg.scid  }
0x8b: {  	s0 =	sand.u32 $0x1, s1  }
0x8c: {  	s17 =	sshll.u32 s0, $0xA;
	s2 =	sadd.s32 s3, s2  }
0x8d: {  	s2 =	sadd.s32 s2, s17  }
0x8e: {  	[smem:$0x3FC3] =	sst s2  }
0x8f: {  	_ = 	snop  }
0x90: {  	s2 =	sld [smem:$0x3FC9]  }
0x91: {  	s18 =	sld [smem:$0x3FC7]  }
0x92: {  	s4 =	sld [smem:$0x3FD0];
	(tm) =	ssettm $0x1  }
0x93: {  	s5 =	sld [smem:$0x3FFB];
	_ =	sdelay $0x3  }
0x94: {  	_ =	strace s5  }
0x95: {  	s5 =	sld [smem:$0x3FFC];
	_ =	sdelay $0x3  }
0x96: {  	_ =	strace s5  }
0x97: {  	s5 =	sld [smem:$0x3FFD];
	_ =	sdelay $0x3  }
0x98: {  	_ =	strace s5  }
0x99: {  	_ =	strace $0x8FFFFFFF  }
0x9a: {  	s19 =	sld [smem:$0x3FDB];
	_ =	sdelay $0x1  }
0x9b: {  	s6 =	simm.s32 $_scs_section_size  }
0x9c: {  	s7 =	simm.s32 $_size__tile_overlayer_lowered;
	s8 =	simm.s32 $_tile_overlayer_lowered  }
0x9d: {  	s22 =	simm.s32 $0x1BFF;
	s21 =	sshll.u32 s8, $0x1;
	s5 =	sadd.s32 s6, s19  }
0x9e: {  	s9 =	simm.s32 $0x0;
	s20 =	sshll.u32 s7, $0x1;
	s7 =	sadd.s32 s21, s5  }
0x9f: {  	[timem:s9], [sflag:s22] =	dma.local [hbm:s7], s20  }
0xa0: {  	_ =	swait.ge [sflag:s22], s20  }
0xa1: {  	s6 =	ssub.s32 $0x0, s20;
	[sflag:s22] =	ssyncset.done $0x0  }
0xa2: {  	[sflag:s22] =	ssyncadd.s32 s6;
	_ =	sdelay $0x1  }
0xa3: {  	s23 =	simm.s32 $0x1B8B  }
0xa4: {  	_ =	swait.ge [sflag:s23], $0x1  }
0xa5: {  	[sflag:s23] =	ssyncset.done $0x0  }
0xa6: {  	s25 =	simm.s32 $0x1B8E;
	s24 =	sld [smem:$0x3FFE];
	[sflag:s23] =	ssyncadd.s32 $0xFFFFFFFF  }
0xa7: {  	s26 =	simm.s32 $execute0_lowered;
	[smem:$0x3FD2] =	sst s25  }
0xa8: {  	s7 =	sshll.u32 s26, $0x1;
	_ =	strace $0x80000046;
	[dreg:$0x1] =	wrdreg $0xFFFFFFFF  }
0xa9: {  	s28 =	simm.s32 $_size_execute0_lowered;
	s5 =	sadd.s32 s5, s7;
	[dreg:$0x0] =	wrdreg $0x0  }
0xaa: {  	s7 =	sshll.u32 s28, $0x1;
	[dreg:$0x2] =	wrdreg s5  }
0xab: {  	[dreg:$0x3] =	wrdreg s7  }
0xac: {  	[dreg:$0x4] =	wrdreg $0xC0  }
0xad: {  	_ =	task [dreg:s9], $0x5FFFF  }
0xae: {  	[dreg:$0x1] =	wrdreg $0xFFFFFFFF  }
0xaf: {  	[dreg:$0x0] =	wrdreg $0x60  }
0xb0: {  	[dreg:$0x2] =	wrdreg s2  }
0xb1: {  	[dreg:$0x3] =	wrdreg s18  }
0xb2: {  	[dreg:$0x4] =	wrdreg s4  }
0xb3: {  	[dreg:$0x5] =	wrdreg s24  }
0xb4: {  	[dreg:$0x6] =	wrdreg $0x93800  }
0xb5: {  	[dreg:$0x7] =	wrdreg $0xA3800  }
0xb6: {  	[dreg:$0x8] =	wrdreg $0x9  }
0xb7: {  	_ =	task.clear_ibuf [dreg:s9], $0x9FFFF;
	_ =	strace $0x90000046  }
0xb8: {  	s29 =	simm.s32 $0x9;
	_ =	strace $0x80000048  }
0xb9: {  	_ =	swait.ge [sflag:s29], $0x1  }
0xba: {  	[sflag:s29] =	ssyncadd.s32 $0xFFFFFFFF  }
0xbb: {  	_ =	strace $0x90000048  }
0xbc: {  	_ =	sfence  }
0xbd: {  	s30 =	sld [smem:$0x0];
	_ =	sdelay $0x2  }
0xbe: {  	s31 =	sshll.u32 s1, $0xD;
	s1 =	sshrl.u32 s1, $0x2  }
0xbf: {  	s3 =	sand.u32 $0x4000, s31;
	s1 =	sadd.s32 s1, s30  }
0xc0: {  	s0 =	sor.u32 s3, s0;
	s1 =	sshll.u32 s1, $0x11  }
0xc1: {  	s0 =	sor.u32 s1, s0  }
0xc2: {  	s0 =	sadd.s32 $0x8F2B, s0  }
0xc3: {  	[sflag:s0] =	ssyncadd.remote.s32 $0x1  }
0xc4: {  	_ =	sfence.sel $0xFFFF  }
0xc5: {  	[dreg:$0x0] =	wrdreg $0xFFFFFFFF;
	(pc) =	sbr.abs _section_cstart, $3  }
0xc6: {  	[dreg:$0x1] =	wrdreg $0xFFFFFFFF  }
0xc7: {  	_ =	task.clear_ibuf [dreg:s9], $0x2FFFF;
	_ =	strace $0x9FFFFFFF  }
0xc8: {  	(tm) =	ssettm $0x7FFFFFFF  }
0xc9: {  	_ =	shalt  }
tec
execute0_lowered:
.L_overlay_start_1:
0x0: {  	(tag) =	ssettag $0x1  }
0x1: {  	s12 =	rddreg [dreg:$0x0]  }
0x2: {  	s14 =	rddreg [dreg:$0x1]  }
0x3: {  	s9 =	rddreg [dreg:$0x2]  }
0x4: {  	s4 =	rddreg [dreg:$0x3]  }
0x5: {  	s1 =	rddreg [dreg:$0x4]  }
0x6: {  	s2 =	rddreg [dreg:$0x5];
	s5 =	srdreg.scid  }
0x7: {  	s3 =	simm.s32 $0x0;
	s18 =	stileid.u32;
	s19 =	simm.s32 $0x6  }
0x8: {  	s20 =	simm.s32 $0x1;
	s28 =	simm.s32 $0x0;
	s13 =	sand.u32 $0x1, s5  }
0x9: {  	[smem:$0x7FF] =	sst s3;
	s8 =	sshll.u32 s18, $0xC;
	s29 =	sshll.u32 s18, $0x10  }
0xa: {  	p0 =	sne.s32 s18, $0x0;
	s18 =	simm.s32 $0x8180;
	s5 =	sshll.u32 s13, $0xB  }
0xb: {  	_ =	strace $0x80000047;
	s6 =	ssub.s32 $0x2, s13;
	s21 =	sshll.u32 s13, $0x4  }
0xc: {  	s24 =	sshll.u32 s13, $0x10;
	s13 =	sshll.u32 s13, $0xF;
	s15 =	sor.u32 s5, s8  }
0xd: {  	s7 =	sshrl.u32 s6, $0x1;
	s11 =	sadd.s32 s21, s4;
	s17 =	sor.u32 s8, s24  }
0xe: {  	s8 =	sadd.s32 s8, s1;
	s21 =	simm.s32 $0x3;
	s24 =	simm.s32 $0x5  }
0xf: {  	s10 =	sshll.u32 s15, $0x4;
	s16 =	ssub.s32 s6, s7;
	s22 =	sshrl.u32 s15, $0x3  }
0x10: {  	s23 =	sor.u32 $0x80, s15;
	s26 =	sshrl.u32 s17, $0x3;
	s30 =	sor.u32 $0x180, s15  }
0x11: {  	s15 =	sor.u32 $0x100, s15;
	s17 =	simm.s32 $0x8080;
	s4 =	sadd.s32 s12, s10  }
0x12: {  	s5 =	sadd.s32 s14, s22;
	s25 =	sshll.u32 s23, $0x4;
	s7 =	sshrl.u32 s23, $0x3  }
0x13: {  	s9 =	sadd.s32 s9, s26;
	s10 =	sadd.s32 $0x1200, s11;
	s11 =	smax.u32 s16, $0x1  }
0x14: {  	s31 =	sshrl.u32 s30, $0x3;
	s15 =	sshrl.u32 s15, $0x3;
	s16 =	simm.s32 $0x4000  }
0x15: {  	s22 =	simm.s32 $0x80;
	s23 =	simm.s32 $0x8100;
	s26 =	simm.s32 $0x4  }
0x16: {  	s6 =	sadd.s32 s12, s25;
	s7 =	sadd.s32 s14, s7;
	s12 =	sadd.s32 s29, s12  }
0x17: {  	s25 =	simm.s32 $0x2;
	s12 =	sadd.s32 s13, s12;
	s13 =	sadd.s32 s31, s14  }
0x18: {  	v0 =	vimm.f32 $1.000000000e+00;
	v1 =	vimm.f32 $0.0e+00;
	s14 =	sadd.s32 s15, s14;
	s15 =	simm.s32 $0x8000;
	s12 =	sadd.s32 $0x1800, s12  }
.LBB2_1:
0x19: {  	[tilespmem:s3], [sflag:$0x1] =	stream.linear.gather [hbm4b:s4+s3], $0x4000, $0x38;
	[tilespmem:$0xA3A0] =	vst v63  }
0x1a: {  	_ = 	snop  }
0x1b: {  	[tilespmem:s15], [sflag:$0x3] =	stream.linear.gather [hbm4b:s5+s3], $0x80, $0x38;
	[tilespmem:$0xA3A0] =	vst v63  }
0x1c: {  	_ = 	snop  }
0x1d: {  	[tilespmem:s16], [sflag:$0x2] =	stream.linear.gather [hbm4b:s6+s3], $0x4000, $0x38;
	[tilespmem:$0xA3A0] =	vst v63  }
0x1e: {  	_ = 	snop  }
0x1f: {  	[tilespmem:s17], [sflag:$0x4] =	stream.linear.gather [hbm4b:s7+s3], $0x80, $0x38;
	[tilespmem:$0xA3A0] =	vst v63  }
0x20: {  	[tilespmem:$0x8100] =	vst v0  }
0x21: {  	[tilespmem:$0x8110] =	vst v0  }
0x22: {  	[tilespmem:$0x8120] =	vst v0  }
0x23: {  	[tilespmem:$0x8130] =	vst v0  }
0x24: {  	[tilespmem:$0x8140] =	vst v0  }
0x25: {  	[tilespmem:$0x8150] =	vst v0  }
0x26: {  	[tilespmem:$0x8160] =	vst v0  }
0x27: {  	s29 =	simm.s32 $0x0;
	s30 =	simm.s32 $0x200;
	[tilespmem:$0x8170] =	vst v0  }
.LBB2_2:
0x28: {  	p1 =	sne.s32 s30, $0x3E00;
	[tilespmem:s29+$0x81F0] =	vst v1  }
0x29: {  	[tilespmem:s29+$0x8180] =	vst v1  }
0x2a: {  	[tilespmem:s29+$0x8190] =	vst v1  }
.Ltmp0:
0x2b: {  	[tilespmem:s29+$0x81A0] =	vst v1;
	(pc) =	sbr.rel @p1 .LBB2_2-.Ltmp0, $4  }
0x2c: {  	[tilespmem:s29+$0x81B0] =	vst v1  }
0x2d: {  	[tilespmem:s29+$0x81C0] =	vst v1  }
0x2e: {  	[tilespmem:s29+$0x81D0] =	vst v1  }
0x2f: {  	[tilespmem:s29+$0x81E0] =	vst v1;
	s29 =	sshra.s32 s30, $0x2;
	s30 =	sadd.s32 $0x200, s30  }
0x30: {  	[tilespmem:s29+$0x81F0] =	vst v1  }
0x31: {  	[tilespmem:s29+$0x8180] =	vst v1  }
0x32: {  	[tilespmem:s29+$0x8190] =	vst v1  }
0x33: {  	[tilespmem:s29+$0x81A0] =	vst v1  }
0x34: {  	[tilespmem:s29+$0x81B0] =	vst v1  }
0x35: {  	[tilespmem:s29+$0x81C0] =	vst v1  }
0x36: {  	[tilespmem:s29+$0x81D0] =	vst v1  }
0x37: {  	[tilespmem:s29+$0x81E0] =	vst v1  }
0x38: {  	[tilespmem:$0x9180] =	vst v1  }
0x39: {  	[tilespmem:$0x9190] =	vst v1  }
0x3a: {  	[tilespmem:$0x91A0] =	vst v1  }
0x3b: {  	[tilespmem:$0x91B0] =	vst v1  }
0x3c: {  	[tilespmem:$0x91C0] =	vst v1  }
0x3d: {  	[tilespmem:$0x91D0] =	vst v1  }
0x3e: {  	[tilespmem:$0x91E0] =	vst v1  }
0x3f: {  	[tilespmem:$0x91F0] =	vst v1  }
0x40: {  	[tilespmem:$0x9200] =	vst v1  }
0x41: {  	[tilespmem:$0x9210] =	vst v1  }
0x42: {  	[tilespmem:$0x9220] =	vst v1  }
0x43: {  	[tilespmem:$0x9230] =	vst v1  }
0x44: {  	[tilespmem:$0x9240] =	vst v1  }
0x45: {  	[tilespmem:$0x9250] =	vst v1  }
0x46: {  	[tilespmem:$0x9260] =	vst v1  }
0x47: {  	[tilespmem:$0x9270] =	vst v1  }
0x48: {  	[tilespmem:$0x9280] =	vst v1  }
0x49: {  	[tilespmem:$0x9290] =	vst v1  }
0x4a: {  	[tilespmem:$0x92A0] =	vst v1  }
0x4b: {  	[tilespmem:$0x92B0] =	vst v1  }
0x4c: {  	[tilespmem:$0x92C0] =	vst v1  }
0x4d: {  	[tilespmem:$0x92D0] =	vst v1  }
0x4e: {  	[tilespmem:$0x92E0] =	vst v1  }
0x4f: {  	[tilespmem:$0x92F0] =	vst v1  }
0x50: {  	[tilespmem:$0x9300] =	vst v1  }
0x51: {  	[tilespmem:$0x9310] =	vst v1  }
0x52: {  	[tilespmem:$0x9320] =	vst v1  }
0x53: {  	[tilespmem:$0x9330] =	vst v1  }
0x54: {  	[tilespmem:$0x9340] =	vst v1  }
0x55: {  	[tilespmem:$0x9350] =	vst v1  }
0x56: {  	[tilespmem:$0x9360] =	vst v1  }
0x57: {  	[tilespmem:$0x9370] =	vst v1  }
0x58: {  	[spmem:s8] =	stream.linear.scatter [tilespmem:s18], [sflag:$0x6], $0x1000, $0x38;
	[tilespmem:$0xA3A0] =	vst v63  }
0x59: {  	_ =	swait.ge [sflag:s19], $0x1000  }
0x5a: {  	[sflag:s19] =	ssyncset.done $0x0  }
0x5b: {  	s29 =	simm.s32 @!p0 $0x9180;
	[sflag:s19] =	ssyncadd.s32 $0xFFFFF000  }
0x5c: {  	[spmem:s2] =	stream.linear.scatter @!p0 [tilespmem:s29], [sflag:$0x6], $0x200, $0x38;
	[tilespmem:$0xA3A0] =	vst v63  }
0x5d: {  	s29 =	simm.s32 @!p0 $0x6  }
0x5e: {  	_ =	swait.ge @!p0 [sflag:s29], $0x200  }
0x5f: {  	[sflag:s29] =	ssyncset.done @!p0 $0x0  }
0x60: {  	[sflag:s29] =	ssyncadd.s32 @!p0 $0xFFFFFE00  }
0x61: {  	[bflag:$0x0] =	sbarrier.arrive $0xFFFF  }
0x62: {  	_ =	swait.ge [sflag:s20], $0x4000  }
0x63: {  	[sflag:s20] =	ssyncset.done $0x0  }
0x64: {  	[sflag:s20] =	ssyncadd.s32 $0xFFFFC000  }
0x65: {  	_ =	swait.ge [sflag:s21], $0x80  }
0x66: {  	[sflag:s21] =	ssyncset.done $0x0  }
0x67: {  	[sflag:s21] =	ssyncadd.s32 $0xFFFFFF80  }
0x68: {  	[spmem:s2] =	stream.indirect.scatter.add.f32 [tilespmem:s23], [sflag:$0x5], $0x1, s15, s22, $0xb8;
	[tilespmem:$0xA3A0] =	vst v63  }
0x69: {  	_ = 	snop  }
0x6a: {  	[spmem:s1] =	stream.indirect.scatter.add.f32 [tilespmem:s3], [sflag:$0x6], $0x80, s15, s22, $0xb8;
	[tilespmem:$0xA3A0] =	vst v63  }
0x6b: {  	_ =	swait.ge [sflag:s19], $0x4000  }
0x6c: {  	[sflag:s19] =	ssyncset.done $0x0  }
0x6d: {  	[sflag:s19] =	ssyncadd.s32 $0xFFFFC000  }
0x6e: {  	_ =	swait.ge [sflag:s24], $0x80  }
0x6f: {  	[sflag:s24] =	ssyncset.done $0x0  }
0x70: {  	s29 =	sadd.s32 $0xFFFFF800, s12;
	[sflag:s24] =	ssyncadd.s32 $0xFFFFFF80  }
0x71: {  	[tilespmem:s3], [sflag:$0x1] =	stream.linear.gather [hbm4b:s29+s3], $0x4000, $0x38;
	[tilespmem:$0xA3A0] =	vst v63  }
0x72: {  	s29 =	sadd.s32 $0x0, s14  }
0x73: {  	[tilespmem:s15], [sflag:$0x3] =	stream.linear.gather [hbm4b:s29+s3], $0x80, $0x38;
	[tilespmem:$0xA3A0] =	vst v63  }
0x74: {  	_ =	swait.ge [sflag:s25], $0x4000  }
0x75: {  	[sflag:s25] =	ssyncset.done $0x0  }
0x76: {  	[sflag:s25] =	ssyncadd.s32 $0xFFFFC000  }
0x77: {  	_ =	swait.ge [sflag:s26], $0x80  }
0x78: {  	[sflag:s26] =	ssyncset.done $0x0  }
0x79: {  	[sflag:s26] =	ssyncadd.s32 $0xFFFFFF80  }
0x7a: {  	[spmem:s2] =	stream.indirect.scatter.add.f32 [tilespmem:s23], [sflag:$0x5], $0x1, s17, s22, $0xb8;
	[tilespmem:$0xA3A0] =	vst v63  }
0x7b: {  	_ = 	snop  }
0x7c: {  	[spmem:s1] =	stream.indirect.scatter.add.f32 [tilespmem:s16], [sflag:$0x6], $0x80, s17, s22, $0xb8;
	[tilespmem:$0xA3A0] =	vst v63  }
0x7d: {  	_ =	swait.ge [sflag:s19], $0x4000  }
0x7e: {  	[sflag:s19] =	ssyncset.done $0x0  }
0x7f: {  	[sflag:s19] =	ssyncadd.s32 $0xFFFFC000  }
0x80: {  	_ =	swait.ge [sflag:s24], $0x80  }
0x81: {  	s31 =	sadd.s32 $0x0, s13;
	[sflag:s24] =	ssyncset.done $0x0  }
0x82: {  	s30 =	sadd.s32 $0x1000, s12;
	s29 =	simm.s32 $0x20;
	[sflag:s24] =	ssyncadd.s32 $0xFFFFFF80  }
0x83: {  	[tilespmem:s16], [sflag:$0x2] =	stream.linear.gather [hbm4b:s12+s3], $0x4000, $0x38;
	[tilespmem:$0xA3A0] =	vst v63  }
.LBB2_4:
0x84: {  	[tilespmem:s17], [sflag:$0x4] =	stream.linear.gather [hbm4b:s31+s3], $0x80, $0x38;
	[tilespmem:$0xA3A0] =	vst v63  }
0x85: {  	s31 =	smov.u32 s29  }
0x86: {  	p1 =	sne.s32 s29, $0xC0;
	s29 =	sadd.s32 $0x20, s29;
	_ =	swait.ge [sflag:s20], $0x4000  }
0x87: {  	[sflag:s20] =	ssyncset.done $0x0  }
0x88: {  	[sflag:s20] =	ssyncadd.s32 $0xFFFFC000  }
0x89: {  	_ =	swait.ge [sflag:s21], $0x80  }
0x8a: {  	[sflag:s21] =	ssyncset.done $0x0  }
0x8b: {  	[sflag:s21] =	ssyncadd.s32 $0xFFFFFF80  }
0x8c: {  	[spmem:s2] =	stream.indirect.scatter.add.f32 [tilespmem:s23], [sflag:$0x5], $0x1, s15, s22, $0xb8;
	[tilespmem:$0xA3A0] =	vst v63  }
0x8d: {  	_ = 	snop  }
0x8e: {  	[spmem:s1] =	stream.indirect.scatter.add.f32 [tilespmem:s3], [sflag:$0x6], $0x80, s15, s22, $0xb8;
	[tilespmem:$0xA3A0] =	vst v63  }
0x8f: {  	_ =	swait.ge [sflag:s19], $0x4000  }
0x90: {  	[sflag:s19] =	ssyncset.done $0x0  }
0x91: {  	[sflag:s19] =	ssyncadd.s32 $0xFFFFC000  }
0x92: {  	_ =	swait.ge [sflag:s24], $0x80  }
0x93: {  	[sflag:s24] =	ssyncset.done $0x0  }
0x94: {  	s0 =	sadd.s32 $0xFFFFF800, s30;
	[sflag:s24] =	ssyncadd.s32 $0xFFFFFF80  }
0x95: {  	[tilespmem:s3], [sflag:$0x1] =	stream.linear.gather [hbm4b:s0+s3], $0x4000, $0x38;
	[tilespmem:$0xA3A0] =	vst v63  }
0x96: {  	s0 =	sadd.s32 s31, s14  }
0x97: {  	[tilespmem:s15], [sflag:$0x3] =	stream.linear.gather [hbm4b:s0+s3], $0x80, $0x38;
	[tilespmem:$0xA3A0] =	vst v63  }
0x98: {  	_ =	swait.ge [sflag:s25], $0x4000  }
0x99: {  	[sflag:s25] =	ssyncset.done $0x0  }
0x9a: {  	[sflag:s25] =	ssyncadd.s32 $0xFFFFC000  }
0x9b: {  	_ =	swait.ge [sflag:s26], $0x80  }
0x9c: {  	[sflag:s26] =	ssyncset.done $0x0  }
0x9d: {  	[sflag:s26] =	ssyncadd.s32 $0xFFFFFF80  }
0x9e: {  	[spmem:s2] =	stream.indirect.scatter.add.f32 [tilespmem:s23], [sflag:$0x5], $0x1, s17, s22, $0xb8;
	[tilespmem:$0xA3A0] =	vst v63  }
0x9f: {  	_ = 	snop  }
0xa0: {  	[spmem:s1] =	stream.indirect.scatter.add.f32 [tilespmem:s16], [sflag:$0x6], $0x80, s17, s22, $0xb8;
	[tilespmem:$0xA3A0] =	vst v63  }
0xa1: {  	_ =	swait.ge [sflag:s19], $0x4000  }
0xa2: {  	[sflag:s19] =	ssyncset.done $0x0  }
0xa3: {  	[sflag:s19] =	ssyncadd.s32 $0xFFFFC000  }
.Ltmp1:
0xa4: {  	_ =	swait.ge [sflag:s24], $0x80;
	(pc) =	sbr.rel @p1 .LBB2_4-.Ltmp1, $4  }
0xa5: {  	[sflag:s24] =	ssyncset.done $0x0  }
0xa6: {  	[sflag:s24] =	ssyncadd.s32 $0xFFFFFF80  }
0xa7: {  	[tilespmem:s16], [sflag:$0x2] =	stream.linear.gather [hbm4b:s30+s3], $0x4000, $0x38;
	[tilespmem:$0xA3A0] =	vst v63  }
0xa8: {  	s31 =	sadd.s32 s31, s13;
	s30 =	sadd.s32 $0x1000, s30  }
0xa9: {  	[tilespmem:s17], [sflag:$0x4] =	stream.linear.gather [hbm4b:s31+s3], $0x80, $0x38;
	[tilespmem:$0xA3A0] =	vst v63  }
0xaa: {  	_ =	swait.ge [sflag:s20], $0x4000  }
0xab: {  	[sflag:s20] =	ssyncset.done $0x0  }
0xac: {  	[sflag:s20] =	ssyncadd.s32 $0xFFFFC000  }
0xad: {  	_ =	swait.ge [sflag:s21], $0x80  }
0xae: {  	[sflag:s21] =	ssyncset.done $0x0  }
0xaf: {  	[sflag:s21] =	ssyncadd.s32 $0xFFFFFF80  }
0xb0: {  	[spmem:s2] =	stream.indirect.scatter.add.f32 [tilespmem:s23], [sflag:$0x5], $0x1, s15, s22, $0xb8;
	[tilespmem:$0xA3A0] =	vst v63  }
0xb1: {  	_ = 	snop  }
0xb2: {  	[spmem:s1] =	stream.indirect.scatter.add.f32 [tilespmem:s3], [sflag:$0x6], $0x80, s15, s22, $0xb8;
	[tilespmem:$0xA3A0] =	vst v63  }
0xb3: {  	_ =	swait.ge [sflag:s19], $0x4000  }
0xb4: {  	[sflag:s19] =	ssyncset.done $0x0  }
0xb5: {  	[sflag:s19] =	ssyncadd.s32 $0xFFFFC000  }
0xb6: {  	_ =	swait.ge [sflag:s24], $0x80  }
0xb7: {  	[sflag:s24] =	ssyncset.done $0x0  }
0xb8: {  	[sflag:s24] =	ssyncadd.s32 $0xFFFFFF80  }
0xb9: {  	_ =	swait.ge [sflag:s25], $0x4000  }
0xba: {  	[sflag:s25] =	ssyncset.done $0x0  }
0xbb: {  	[sflag:s25] =	ssyncadd.s32 $0xFFFFC000  }
0xbc: {  	_ =	swait.ge [sflag:s26], $0x80  }
0xbd: {  	[sflag:s26] =	ssyncset.done $0x0  }
0xbe: {  	[sflag:s26] =	ssyncadd.s32 $0xFFFFFF80  }
0xbf: {  	[spmem:s2] =	stream.indirect.scatter.add.f32 [tilespmem:s23], [sflag:$0x5], $0x1, s17, s22, $0xb8;
	[tilespmem:$0xA3A0] =	vst v63  }
0xc0: {  	_ = 	snop  }
0xc1: {  	[spmem:s1] =	stream.indirect.scatter.add.f32 [tilespmem:s16], [sflag:$0x6], $0x80, s17, s22, $0xb8;
	[tilespmem:$0xA3A0] =	vst v63  }
0xc2: {  	_ =	swait.ge [sflag:s19], $0x4000  }
0xc3: {  	[sflag:s19] =	ssyncset.done $0x0  }
0xc4: {  	[sflag:s19] =	ssyncadd.s32 $0xFFFFC000  }
0xc5: {  	_ =	swait.ge [sflag:s24], $0x80  }
0xc6: {  	[sflag:s24] =	ssyncset.done $0x0  }
0xc7: {  	[sflag:s24] =	ssyncadd.s32 $0xFFFFFF80  }
0xc8: {  	[bflag:$0x0] =	sbarrier.arrive $0xFFFF  }
0xc9: {  	[tilespmem:s18], [sflag:$0x6] =	stream.linear.gather [spmem:s8], $0x1000, $0x38;
	[tilespmem:$0xA3A0] =	vst v63  }
0xca: {  	_ =	swait.ge [sflag:s19], $0x1000  }
0xcb: {  	[sflag:s19] =	ssyncset.done $0x0  }
0xcc: {  	[sflag:s19] =	ssyncadd.s32 $0xFFFFF000  }
0xcd: {  	[hbm4b:s9+s3] =	stream.linear.scatter [tilespmem:s18], [sflag:$0x6], $0x1000, $0x38;
	[tilespmem:$0xA3A0] =	vst v63  }
0xce: {  	_ =	swait.ge [sflag:s19], $0x1000  }
0xcf: {  	[sflag:s19] =	ssyncset.done $0x0  }
0xd0: {  	s0 =	simm.s32 @!p0 $0x9180;
	s29 =	simm.s32 @!p0 $0x6;
	[sflag:s19] =	ssyncadd.s32 $0xFFFFF000  }
0xd1: {  	[tilespmem:s0], [sflag:$0x6] =	stream.linear.gather @!p0 [spmem:s2], $0x200, $0x38;
	[tilespmem:$0xA3A0] =	vst v63  }
0xd2: {  	s28 =	sadd.s32 $0x1, s28;
	_ =	swait.ge @!p0 [sflag:s29], $0x200  }
0xd3: {  	s30 =	simm.s32 @!p0 $0x80;
	p1 =	sne.s32 s28, s11;
	[sflag:s29] =	ssyncset.done @!p0 $0x0  }
.Ltmp2:
0xd4: {  	s31 =	simm.s32 @!p0 $0x100;
	[sflag:s29] =	ssyncadd.s32 @!p0 $0xFFFFFE00;
	(pc) =	sbr.rel @p1 .LBB2_1-.Ltmp2, $4  }
0xd5: {  	[hbm4b:s10+s30] =	stream.strided.scatter @!p0 [tilespmem:s0], [sflag:$0x6], $0x200, s31, s30, $0x38;
	[tilespmem:$0xA3A0] =	vst v63  }
0xd6: {  	_ =	swait.ge @!p0 [sflag:s29], $0x200  }
0xd7: {  	[sflag:s29] =	ssyncset.done @!p0 $0x0  }
0xd8: {  	[sflag:s29] =	ssyncadd.s32 @!p0 $0xFFFFFE00  }
0xd9: {  	_ =	sfence.sel $0x180000  }
0xda: {  	[bflag:$0x0] =	sbarrier.arrive $0xFFFF  }
0xdb: {  	_ =	strace $0x90000047  }
0xdc: {  	[bflag:$0x2] =	sbarrier.arrive $0xFFFF  }
0xdd: {  	s0 =	rddreg [dreg:$0x6]  }
0xde: {  	s0 =	sadd.s32 @!p0 $0x100000, s0  }
0xdf: {  	[sflag:s0] =	ssyncadd.tile.s32 @!p0 $0x1;
	_ =	shalt  }
.Lfunc_end2:
_tile_overlayer_lowered:
.L_overlay_start_2:
0xe0: {  	(tag) =	ssettag $0x2  }
0xe1: {  	s0 =	rddreg [dreg:$0x0];
	s2 =	stileid.u32  }
0xe2: {  	s1 =	rddreg [dreg:$0x1];
	p0 =	sne.s32 s2, $0x0  }
0xe3: {  	s3 =	rddreg [dreg:$0x2];
	[bflag:$0x3] =	sbarrier.arrive $0xFFFF;
	s2 =	simm.s32 @!p0 $0x1C06  }
0xe4: {  	[timem:s3], [sflag:s2] =	dma.local @!p0 [hbm:s0], s1  }
0xe5: {  	s0 =	simm.s32 @!p0 $0x6  }
0xe6: {  	_ =	swait.ge @!p0 [sflag:s0], s1  }
0xe7: {  	s1 =	ssub.s32 @!p0 $0x0, s1;
	[sflag:s0] =	ssyncset.done @!p0 $0x0  }
0xe8: {  	[sflag:s0] =	ssyncadd.s32 @!p0 s1  }
0xe9: {  	[bflag:$0x3] =	sbarrier.arrive $0xFFFF  }
0xea: {  	_ =	shalt  }

</sc_bundles>
